<compile_context>
chip_gen: v7x
topology: tpu7x:2x2x1
jax: 0.10.2.dev20260603
libtpu: 0.0.44.dev20260713+nightly
codegen_flags: <defaults>
</compile_context>

<pallas_src>
import functools

import jax
import jax.numpy as jnp
from jax import lax
from jax.experimental import pallas as pl
from jax.experimental.pallas import tpu as pltpu
from jax.experimental.pallas import tpu_sc as plsc

NC = 2
NS = 16
NW = NC * NS
CHUNK = 128
DEGW = 128
DEGQ = 8

_mesh = plsc.VectorSubcoreMesh(core_axis_name="c", subcore_axis_name="s")


def _make_deg_kernel(npad, ch):
    rows_per_tile = npad // NS

    @functools.partial(
        pl.kernel,
        out_type=jax.ShapeDtypeStruct((NC, npad, DEGW), jnp.float32),
        mesh=_mesh,
        scratch_types=[
            pltpu.VMEM((ch, CHUNK), jnp.int32),
            pltpu.VMEM((CHUNK, DEGW), jnp.float32),
            pltpu.VMEM_SHARED((npad, DEGW), jnp.float32),
            pltpu.SemaphoreType.DMA((DEGQ,)),
        ],
    )
    def deg_kernel(dst_hbm, ones_hbm, zdeg_hbm, out_hbm, idx_v, ones_v, acc_sh,
                   ssem):
        c = lax.axis_index("c")
        s = lax.axis_index("s")
        pltpu.sync_copy(ones_hbm, ones_v)
        pltpu.sync_copy(zdeg_hbm, acc_sh.at[pl.ds(s * rows_per_tile, rows_per_tile)])
        plsc.subcore_barrier()

        pltpu.sync_copy(dst_hbm.at[c, s], idx_v)

        def body(j, _):
            q = lax.rem(j, DEGQ)

            @pl.when(j >= DEGQ)
            def _():
                pltpu.make_async_copy(ones_hbm, ones_v, ssem.at[q]).wait()

            pltpu.async_copy(ones_v, acc_sh.at[idx_v.at[j]], ssem.at[q], add=True)
            return 0

        lax.fori_loop(0, ch, body, 0)

        def drain(j, _):
            q = lax.rem(j, DEGQ)
            pltpu.make_async_copy(ones_hbm, ones_v, ssem.at[q]).wait()
            return 0

        lax.fori_loop(ch - DEGQ, ch, drain, 0)
        plsc.subcore_barrier()
        pltpu.sync_copy(
            acc_sh.at[pl.ds(s * rows_per_tile, rows_per_tile)],
            out_hbm.at[c, pl.ds(s * rows_per_tile, rows_per_tile)],
        )

    return deg_kernel


def _make_scatter_kernel(npad, d, ch):
    rows_per_tile = npad // NS

    @functools.partial(
        pl.kernel,
        out_type=jax.ShapeDtypeStruct((NC, npad, d), jnp.float32),
        mesh=_mesh,
        scratch_types=[
            pltpu.VMEM((ch, 2, CHUNK), jnp.int32),
            pltpu.VMEM((CHUNK, d), jnp.float32),
            pltpu.VMEM_SHARED((npad, d), jnp.float32),
        ],
    )
    def scat_kernel(hs_hbm, ei_hbm, zrows_hbm, out_hbm, idx_v, rows_v, acc_sh):
        c = lax.axis_index("c")
        s = lax.axis_index("s")
        pltpu.sync_copy(zrows_hbm, acc_sh.at[pl.ds(s * rows_per_tile, rows_per_tile)])
        plsc.subcore_barrier()
        pltpu.sync_copy(ei_hbm.at[c, s], idx_v)

        def body(j, _):
            pltpu.sync_copy(hs_hbm.at[idx_v.at[j, 0]], rows_v)
            pltpu.sync_copy(rows_v, acc_sh.at[idx_v.at[j, 1]], add=True)
            return 0

        lax.fori_loop(0, ch, body, 0)
        plsc.subcore_barrier()
        pltpu.sync_copy(
            acc_sh.at[pl.ds(s * rows_per_tile, rows_per_tile)],
            out_hbm.at[c, pl.ds(s * rows_per_tile, rows_per_tile)],
        )

    return scat_kernel


def _dinv(d0_ref, d1_ref):
    deg = 1.0 + d0_ref[:, 0:1] + d1_ref[:, 0:1]
    return lax.rsqrt(deg)


def _tc1_body(x_ref, w_ref, d0_ref, d1_ref, hs_ref):
    h = jnp.dot(x_ref[:], w_ref[:], preferred_element_type=jnp.float32)
    hs_ref[:] = h * _dinv(d0_ref, d1_ref)


def _tc2_body(a0_ref, a1_ref, hs_ref, d0_ref, d1_ref, b_ref, w_ref, out_ref):
    dinv = _dinv(d0_ref, d1_ref)
    h1 = dinv * (a0_ref[:] + a1_ref[:] + hs_ref[:]) + b_ref[:]
    h1 = jnp.maximum(h1, 0.0)
    out_ref[:] = jnp.dot(h1, w_ref[:], preferred_element_type=jnp.float32) * dinv


def _tc3_body(a0_ref, a1_ref, hs_ref, d0_ref, d1_ref, b_ref, out_ref):
    dinv = _dinv(d0_ref, d1_ref)
    out_ref[:] = dinv * (a0_ref[:] + a1_ref[:] + hs_ref[:]) + b_ref[:]


def _row_spec(blk, d):
    return pl.BlockSpec((blk, d), lambda i: (i, 0))


def _full_spec(shape):
    return pl.BlockSpec(shape, lambda i: tuple(0 for _ in shape))


def kernel(x, edge_index, W1, b1, W2, b2):
    n, d_in = x.shape
    d_hid = W1.shape[1]
    d_out = W2.shape[1]
    e = edge_index.shape[1]

    npad = ((n + 1024 - 1) // 1024) * 1024
    blk = npad
    ch = (e + NW * CHUNK - 1) // (NW * CHUNK)
    epad = NW * ch * CHUNK

    src = edge_index[0].astype(jnp.int32)
    dst = edge_index[1].astype(jnp.int32)
    pad_idx = jnp.full((epad - e,), n, dtype=jnp.int32)
    src_p = jnp.concatenate([src, pad_idx]).reshape(NC, NS, ch, CHUNK)
    dst_p = jnp.concatenate([dst, pad_idx]).reshape(NC, NS, ch, CHUNK)
    ei_p = jnp.stack([src_p, dst_p], axis=3)
    x_p = jnp.concatenate([x, jnp.zeros((npad - n, d_in), x.dtype)], axis=0)

    rows_per_tile = npad // NS
    ones_rows = jnp.ones((CHUNK, DEGW), jnp.float32)
    zrows = jnp.zeros((rows_per_tile, d_hid), jnp.float32)

    deg2 = _make_deg_kernel(npad, ch)(dst_p, ones_rows, zrows)
    d0, d1 = deg2[0], deg2[1]

    grid = npad // blk
    hs1 = pl.pallas_call(
        _tc1_body,
        grid=(grid,),
        in_specs=[
            _row_spec(blk, d_in),
            _full_spec((d_in, d_hid)),
            _row_spec(blk, DEGW),
            _row_spec(blk, DEGW),
        ],
        out_specs=_row_spec(blk, d_hid),
        out_shape=jax.ShapeDtypeStruct((npad, d_hid), jnp.float32),
    )(x_p, W1, d0, d1)

    scat = _make_scatter_kernel(npad, d_hid, ch)
    acc1 = scat(hs1, ei_p, zrows)

    hs2 = pl.pallas_call(
        _tc2_body,
        grid=(grid,),
        in_specs=[
            _row_spec(blk, d_hid),
            _row_spec(blk, d_hid),
            _row_spec(blk, d_hid),
            _row_spec(blk, DEGW),
            _row_spec(blk, DEGW),
            _full_spec((1, d_hid)),
            _full_spec((d_hid, d_out)),
        ],
        out_specs=_row_spec(blk, d_out),
        out_shape=jax.ShapeDtypeStruct((npad, d_out), jnp.float32),
    )(acc1[0], acc1[1], hs1, d0, d1, b1.reshape(1, d_hid), W2)

    acc2 = scat(hs2, ei_p, zrows)

    out = pl.pallas_call(
        _tc3_body,
        grid=(grid,),
        in_specs=[
            _row_spec(blk, d_out),
            _row_spec(blk, d_out),
            _row_spec(blk, d_out),
            _row_spec(blk, DEGW),
            _row_spec(blk, DEGW),
            _full_spec((1, d_out)),
        ],
        out_specs=_row_spec(blk, d_out),
        out_shape=jax.ShapeDtypeStruct((npad, d_out), jnp.float32),
    )(acc2[0], acc2[1], hs2, d0, d1, b2.reshape(1, d_out))

    return out[:n]

# --- scband reference (transcript-rebuilt; emitter-appended) ---
"""Pipeline reference for scband-gcnencoder-5162550690708 (READ-ONLY COPY).

The authoritative reference and input builder live on the scoring server;
editing this copy changes nothing except your own understanding.
"""

import jax, jax.numpy as jnp
import numpy as np

N_NODES = 10000
N_EDGES = 320000
D_IN = 128
D_HID = 128
D_OUT = 128


def setup_inputs(seed: int = 0) -> dict:
    key = jax.random.key(seed)
    k_x, k_ei, k_w1, k_b1, k_w2, k_b2 = jax.random.split(key, 6)
    x = jax.random.normal(k_x, (N_NODES, D_IN), dtype=jnp.float32)
    edge_index = jax.random.randint(k_ei, (2, N_EDGES), 0, N_NODES, dtype=jnp.int64)
    # Glorot-style init for GCNConv weights, zeros for biases (PyG default)
    s1 = (6.0 / (D_IN + D_HID)) ** 0.5
    W1 = jax.random.uniform(k_w1, (D_IN, D_HID), minval=-s1, maxval=s1, dtype=jnp.float32)
    b1 = jnp.zeros((D_HID,), dtype=jnp.float32)
    s2 = (6.0 / (D_HID + D_OUT)) ** 0.5
    W2 = jax.random.uniform(k_w2, (D_HID, D_OUT), minval=-s2, maxval=s2, dtype=jnp.float32)
    b2 = jnp.zeros((D_OUT,), dtype=jnp.float32)
    return {"x": x, "edge_index": edge_index, "W1": W1, "b1": b1, "W2": W2, "b2": b2}


def _gcn_conv(x, edge_index, W, b):
    # GCNConv: add self-loops, symmetric normalization D^-1/2 A D^-1/2, then linear.
    N = x.shape[0]
    loops = jnp.arange(N, dtype=edge_index.dtype)
    src = jnp.concatenate([edge_index[0], loops])
    dst = jnp.concatenate([edge_index[1], loops])
    deg = jnp.zeros((N,), dtype=x.dtype).at[dst].add(1.0)
    dinv = jnp.where(deg > 0, jax.lax.rsqrt(deg), 0.0)
    norm = dinv[src] * dinv[dst]
    h = x @ W
    msg = jnp.take(h, src, axis=0) * norm[:, None]
    out = jnp.zeros((N, W.shape[1]), dtype=x.dtype).at[dst].add(msg)
    return out + b


def reference(x, edge_index, W1, b1, W2, b2):
    h = jax.nn.relu(_gcn_conv(x, edge_index, W1, b1))
    return _gcn_conv(h, edge_index, W2, b2)

if __name__ == "__main__":
    import jax
    _d = setup_inputs()
    print(jax.jit(kernel)(*tuple(_d.values())))

</pallas_src>

<mosaic_0001>
#map = affine_map<(d0, d1) -> (0, 0)>
#map1 = affine_map<(d0, d1) -> (0, 0, 0, 0, 0)>
#map2 = affine_map<(d0, d1) -> (0, 0, 0)>
module attributes {stable_mosaic.version = 14 : i64} {
  func.func @scat_kernel(%arg0: i32, %arg1: i32, %arg2: memref<10240x128xf32, #tpu.memory_space<hbm>>, %arg3: memref<2x16x79x2x128xi32, #tpu.memory_space<hbm>>, %arg4: memref<640x128xf32, #tpu.memory_space<hbm>>, %arg5: memref<2x10240x128xf32, #tpu.memory_space<hbm>>, %arg6: memref<79x2x128xi32, #tpu.memory_space<vmem>>, %arg7: memref<128x128xf32, #tpu.memory_space<vmem>>, %arg8: memref<10240x128xf32, #tpu.memory_space<vmem_shared>>) attributes {dimension_semantics = [#tpu.dimension_semantics<core_parallel>, #tpu.dimension_semantics<subcore_parallel>], iteration_bounds = array<i64: 2, 16>, scalar_prefetch = 0 : i64, scratch_operands = 3 : i64, tpu.core_type = #tpu.core_type<sc_vector_subcore>, window_params = [{transform_indices = #map}, {transform_indices = #map1}, {transform_indices = #map}, {transform_indices = #map2}]} {
    %mul3A = arith.constant 640 : i32
    %mul3A_0 = arith.muli %arg1, %mul3A : i32
    "tpu.region"() ({
      %run_scoped3A = tpu.sem_alloc : memref<!tpu.dma_semaphore, #tpu.memory_space<semaphore_mem>>
      %dma_start3A = arith.constant 0 : i32
      %dma_start3A_12 = tpu.memref_slice %arg8[%mul3A_0, %dma_start3A] : memref<10240x128xf32, #tpu.memory_space<vmem_shared>> -> memref<640x128xf32, #tpu.memory_space<vmem_shared>>
      tpu.enqueue_dma source(%arg4 : memref<640x128xf32, #tpu.memory_space<hbm>>) target(%dma_start3A_12 : memref<640x128xf32, #tpu.memory_space<vmem_shared>>) target_semaphore(%run_scoped3A : memref<!tpu.dma_semaphore, #tpu.memory_space<semaphore_mem>>)
      %dma_wait3A = arith.constant 0 : i32
      %dma_wait3A_13 = tpu.memref_slice %arg8[%mul3A_0, %dma_wait3A] : memref<10240x128xf32, #tpu.memory_space<vmem_shared>> -> memref<640x128xf32, #tpu.memory_space<vmem_shared>>
      tpu.wait_dma2 semaphore(%run_scoped3A : memref<!tpu.dma_semaphore, #tpu.memory_space<semaphore_mem>>) src(%arg4 : memref<640x128xf32, #tpu.memory_space<hbm>>) dst(%dma_wait3A_13 : memref<640x128xf32, #tpu.memory_space<vmem_shared>>)
      tpu.yield
    }) : () -> ()
    %barrier3A = arith.constant 0 : index
    tpu.barrier barrier_id(%barrier3A)
    "tpu.region"() ({
      %run_scoped3A = tpu.sem_alloc : memref<!tpu.dma_semaphore, #tpu.memory_space<semaphore_mem>>
      %dma_start3A = arith.constant 0 : i32
      %dma_start3A_12 = arith.constant 0 : i32
      %dma_start3A_13 = arith.constant 0 : i32
      %dma_start3A_14 = tpu.memref_slice %arg3[%arg0, %arg1, %dma_start3A, %dma_start3A_12, %dma_start3A_13] : memref<2x16x79x2x128xi32, #tpu.memory_space<hbm>> -> memref<1x1x79x2x128xi32, #tpu.memory_space<hbm>>
      %dma_start3A_15 = tpu.memref_squeeze %dma_start3A_14 : memref<1x1x79x2x128xi32, #tpu.memory_space<hbm>> -> memref<79x2x128xi32, #tpu.memory_space<hbm>>
      %dma_start3A_16 = arith.constant 0 : i32
      %dma_start3A_17 = arith.constant 0 : i32
      %dma_start3A_18 = arith.constant 0 : i32
      %dma_start3A_19 = tpu.memref_slice %arg3[%arg0, %arg1, %dma_start3A_16, %dma_start3A_17, %dma_start3A_18] : memref<2x16x79x2x128xi32, #tpu.memory_space<hbm>> -> memref<1x1x79x2x128xi32, #tpu.memory_space<hbm>>
      %dma_start3A_20 = tpu.memref_squeeze %dma_start3A_19 : memref<1x1x79x2x128xi32, #tpu.memory_space<hbm>> -> memref<79x2x128xi32, #tpu.memory_space<hbm>>
      tpu.enqueue_dma source(%dma_start3A_20 : memref<79x2x128xi32, #tpu.memory_space<hbm>>) target(%arg6 : memref<79x2x128xi32, #tpu.memory_space<vmem>>) target_semaphore(%run_scoped3A : memref<!tpu.dma_semaphore, #tpu.memory_space<semaphore_mem>>)
      %dma_wait3A = arith.constant 0 : i32
      %dma_wait3A_21 = arith.constant 0 : i32
      %dma_wait3A_22 = arith.constant 0 : i32
      %dma_wait3A_23 = tpu.memref_slice %arg3[%arg0, %arg1, %dma_wait3A, %dma_wait3A_21, %dma_wait3A_22] : memref<2x16x79x2x128xi32, #tpu.memory_space<hbm>> -> memref<1x1x79x2x128xi32, #tpu.memory_space<hbm>>
      %dma_wait3A_24 = tpu.memref_squeeze %dma_wait3A_23 : memref<1x1x79x2x128xi32, #tpu.memory_space<hbm>> -> memref<79x2x128xi32, #tpu.memory_space<hbm>>
      %dma_wait3A_25 = arith.constant 0 : i32
      %dma_wait3A_26 = arith.constant 0 : i32
      %dma_wait3A_27 = arith.constant 0 : i32
      %dma_wait3A_28 = tpu.memref_slice %arg3[%arg0, %arg1, %dma_wait3A_25, %dma_wait3A_26, %dma_wait3A_27] : memref<2x16x79x2x128xi32, #tpu.memory_space<hbm>> -> memref<1x1x79x2x128xi32, #tpu.memory_space<hbm>>
      %dma_wait3A_29 = tpu.memref_squeeze %dma_wait3A_28 : memref<1x1x79x2x128xi32, #tpu.memory_space<hbm>> -> memref<79x2x128xi32, #tpu.memory_space<hbm>>
      tpu.wait_dma2 semaphore(%run_scoped3A : memref<!tpu.dma_semaphore, #tpu.memory_space<semaphore_mem>>) src(%dma_wait3A_29 : memref<79x2x128xi32, #tpu.memory_space<hbm>>) dst(%arg6 : memref<79x2x128xi32, #tpu.memory_space<vmem>>)
      tpu.yield
    }) : () -> ()
    %scan3A = arith.constant 0 : i32
    %scan3A_1 = arith.constant 0 : i32
    %scan3A_2 = arith.constant 79 : i32
    %scan3A_3 = arith.addi %scan3A_1, %scan3A_2 : i32
    %scan3A_4 = arith.constant 1 : i32
    %scan3A_5 = scf.for %scan3A_12 = %scan3A_1 to %scan3A_3 step %scan3A_4 iter_args(%scan3A_13 = %scan3A) -> (i32)  : i32 {
      %run_scoped3A = arith.constant 0 : i32
      "tpu.region"() ({
        %run_scoped3A_16 = tpu.sem_alloc : memref<!tpu.dma_semaphore, #tpu.memory_space<semaphore_mem>>
        %dma_start3A = arith.constant 0 : i32
        %dma_start3A_17 = tpu.memref_slice %arg6[%scan3A_12, %run_scoped3A, %dma_start3A] : memref<79x2x128xi32, #tpu.memory_space<vmem>> -> memref<1x1x128xi32, #tpu.memory_space<vmem>>
        %dma_start3A_18 = tpu.memref_squeeze %dma_start3A_17 : memref<1x1x128xi32, #tpu.memory_space<vmem>> -> memref<128xi32, #tpu.memory_space<vmem>>
        %dma_start3A_19 = arith.constant 0 : i32
        %dma_start3A_20 = arith.constant 0 : i32
        %dma_start3A_21 = tpu.memref_slice %arg2[%dma_start3A_19, %dma_start3A_20] : memref<10240x128xf32, #tpu.memory_space<hbm>> -> memref<10240x128xf32, #tpu.memory_space<hbm>>
        tpu.enqueue_indirect_dma source(%dma_start3A_21 : memref<10240x128xf32, #tpu.memory_space<hbm>>) target(%arg7 : memref<128x128xf32, #tpu.memory_space<vmem>>) offsets(%dma_start3A_18 : memref<128xi32, #tpu.memory_space<vmem>>) semaphore(%run_scoped3A_16 : memref<!tpu.dma_semaphore, #tpu.memory_space<semaphore_mem>>)
        %dma_wait3A = arith.constant 0 : i32
        %dma_wait3A_22 = tpu.memref_slice %arg6[%scan3A_12, %run_scoped3A, %dma_wait3A] : memref<79x2x128xi32, #tpu.memory_space<vmem>> -> memref<1x1x128xi32, #tpu.memory_space<vmem>>
        %dma_wait3A_23 = tpu.memref_squeeze %dma_wait3A_22 : memref<1x1x128xi32, #tpu.memory_space<vmem>> -> memref<128xi32, #tpu.memory_space<vmem>>
        %dma_wait3A_24 = arith.constant 0 : i32
        %dma_wait3A_25 = arith.constant 0 : i32
        %dma_wait3A_26 = tpu.memref_slice %arg2[%dma_wait3A_24, %dma_wait3A_25] : memref<10240x128xf32, #tpu.memory_space<hbm>> -> memref<10240x128xf32, #tpu.memory_space<hbm>>
        tpu.wait_indirect_dma semaphore(%run_scoped3A_16 : memref<!tpu.dma_semaphore, #tpu.memory_space<semaphore_mem>>) src(%dma_wait3A_26 : memref<10240x128xf32, #tpu.memory_space<hbm>>) dst(%arg7 : memref<128x128xf32, #tpu.memory_space<vmem>>)
        tpu.yield
      }) : () -> ()
      %run_scoped3A_14 = arith.constant 1 : i32
      "tpu.region"() ({
        %run_scoped3A_16 = tpu.sem_alloc : memref<!tpu.dma_semaphore, #tpu.memory_space<semaphore_mem>>
        %dma_start3A = arith.constant 0 : i32
        %dma_start3A_17 = tpu.memref_slice %arg6[%scan3A_12, %run_scoped3A_14, %dma_start3A] : memref<79x2x128xi32, #tpu.memory_space<vmem>> -> memref<1x1x128xi32, #tpu.memory_space<vmem>>
        %dma_start3A_18 = tpu.memref_squeeze %dma_start3A_17 : memref<1x1x128xi32, #tpu.memory_space<vmem>> -> memref<128xi32, #tpu.memory_space<vmem>>
        %dma_start3A_19 = arith.constant 0 : i32
        %dma_start3A_20 = arith.constant 0 : i32
        %dma_start3A_21 = tpu.memref_slice %arg8[%dma_start3A_19, %dma_start3A_20] : memref<10240x128xf32, #tpu.memory_space<vmem_shared>> -> memref<10240x128xf32, #tpu.memory_space<vmem_shared>>
        tpu.enqueue_indirect_dma source(%arg7 : memref<128x128xf32, #tpu.memory_space<vmem>>) target(%dma_start3A_21 : memref<10240x128xf32, #tpu.memory_space<vmem_shared>>) offsets(%dma_start3A_18 : memref<128xi32, #tpu.memory_space<vmem>>) semaphore(%run_scoped3A_16 : memref<!tpu.dma_semaphore, #tpu.memory_space<semaphore_mem>>) {add = true}
        %dma_wait3A = arith.constant 0 : i32
        %dma_wait3A_22 = tpu.memref_slice %arg6[%scan3A_12, %run_scoped3A_14, %dma_wait3A] : memref<79x2x128xi32, #tpu.memory_space<vmem>> -> memref<1x1x128xi32, #tpu.memory_space<vmem>>
        %dma_wait3A_23 = tpu.memref_squeeze %dma_wait3A_22 : memref<1x1x128xi32, #tpu.memory_space<vmem>> -> memref<128xi32, #tpu.memory_space<vmem>>
        %dma_wait3A_24 = arith.constant 0 : i32
        %dma_wait3A_25 = arith.constant 0 : i32
        %dma_wait3A_26 = tpu.memref_slice %arg8[%dma_wait3A_24, %dma_wait3A_25] : memref<10240x128xf32, #tpu.memory_space<vmem_shared>> -> memref<10240x128xf32, #tpu.memory_space<vmem_shared>>
        tpu.wait_indirect_dma semaphore(%run_scoped3A_16 : memref<!tpu.dma_semaphore, #tpu.memory_space<semaphore_mem>>) src(%arg7 : memref<128x128xf32, #tpu.memory_space<vmem>>) dst(%dma_wait3A_26 : memref<10240x128xf32, #tpu.memory_space<vmem_shared>>)
        tpu.yield
      }) : () -> ()
      %scan3A_15 = arith.constant 0 : i32
      scf.yield %scan3A_15 : i32
    }
    %scan3A_6 = arith.constant 79 : i32
    %barrier3A_7 = arith.constant 0 : index
    tpu.barrier barrier_id(%barrier3A_7)
    %mul3A_8 = arith.constant 640 : i32
    %mul3A_9 = arith.muli %arg1, %mul3A_8 : i32
    %mul3A_10 = arith.constant 640 : i32
    %mul3A_11 = arith.muli %arg1, %mul3A_10 : i32
    "tpu.region"() ({
      %run_scoped3A = tpu.sem_alloc : memref<!tpu.dma_semaphore, #tpu.memory_space<semaphore_mem>>
      %dma_start3A = arith.constant 0 : i32
      %dma_start3A_12 = tpu.memref_slice %arg5[%arg0, %mul3A_11, %dma_start3A] : memref<2x10240x128xf32, #tpu.memory_space<hbm>> -> memref<1x640x128xf32, #tpu.memory_space<hbm>>
      %dma_start3A_13 = tpu.memref_squeeze %dma_start3A_12 : memref<1x640x128xf32, #tpu.memory_space<hbm>> -> memref<640x128xf32, #tpu.memory_space<hbm>>
      %dma_start3A_14 = arith.constant 0 : i32
      %dma_start3A_15 = tpu.memref_slice %arg8[%mul3A_9, %dma_start3A_14] : memref<10240x128xf32, #tpu.memory_space<vmem_shared>> -> memref<640x128xf32, #tpu.memory_space<vmem_shared>>
      tpu.enqueue_dma source(%dma_start3A_15 : memref<640x128xf32, #tpu.memory_space<vmem_shared>>) target(%dma_start3A_13 : memref<640x128xf32, #tpu.memory_space<hbm>>) target_semaphore(%run_scoped3A : memref<!tpu.dma_semaphore, #tpu.memory_space<semaphore_mem>>)
      %dma_wait3A = arith.constant 0 : i32
      %dma_wait3A_16 = tpu.memref_slice %arg5[%arg0, %mul3A_11, %dma_wait3A] : memref<2x10240x128xf32, #tpu.memory_space<hbm>> -> memref<1x640x128xf32, #tpu.memory_space<hbm>>
      %dma_wait3A_17 = tpu.memref_squeeze %dma_wait3A_16 : memref<1x640x128xf32, #tpu.memory_space<hbm>> -> memref<640x128xf32, #tpu.memory_space<hbm>>
      %dma_wait3A_18 = arith.constant 0 : i32
      %dma_wait3A_19 = tpu.memref_slice %arg8[%mul3A_9, %dma_wait3A_18] : memref<10240x128xf32, #tpu.memory_space<vmem_shared>> -> memref<640x128xf32, #tpu.memory_space<vmem_shared>>
      tpu.wait_dma2 semaphore(%run_scoped3A : memref<!tpu.dma_semaphore, #tpu.memory_space<semaphore_mem>>) src(%dma_wait3A_19 : memref<640x128xf32, #tpu.memory_space<vmem_shared>>) dst(%dma_wait3A_17 : memref<640x128xf32, #tpu.memory_space<hbm>>)
      tpu.yield
    }) : () -> ()
    return
  }
}

#map = affine_map<(d0, d1) -> (0, 0, 0, 0)>
#map1 = affine_map<(d0, d1) -> (0, 0)>
#map2 = affine_map<(d0, d1) -> (0, 0, 0)>
module attributes {stable_mosaic.version = 14 : i64} {
  func.func @deg_kernel(%arg0: i32, %arg1: i32, %arg2: memref<2x16x79x128xi32, #tpu.memory_space<hbm>>, %arg3: memref<128x128xf32, #tpu.memory_space<hbm>>, %arg4: memref<640x128xf32, #tpu.memory_space<hbm>>, %arg5: memref<2x10240x128xf32, #tpu.memory_space<hbm>>, %arg6: memref<79x128xi32, #tpu.memory_space<vmem>>, %arg7: memref<128x128xf32, #tpu.memory_space<vmem>>, %arg8: memref<10240x128xf32, #tpu.memory_space<vmem_shared>>, %arg9: memref<8x!tpu.dma_semaphore, #tpu.memory_space<semaphore_mem>>) attributes {dimension_semantics = [#tpu.dimension_semantics<core_parallel>, #tpu.dimension_semantics<subcore_parallel>], iteration_bounds = array<i64: 2, 16>, scalar_prefetch = 0 : i64, scratch_operands = 4 : i64, tpu.core_type = #tpu.core_type<sc_vector_subcore>, window_params = [{transform_indices = #map}, {transform_indices = #map1}, {transform_indices = #map1}, {transform_indices = #map2}]} {
    "tpu.region"() ({
      %run_scoped3A = tpu.sem_alloc : memref<!tpu.dma_semaphore, #tpu.memory_space<semaphore_mem>>
      tpu.enqueue_dma source(%arg3 : memref<128x128xf32, #tpu.memory_space<hbm>>) target(%arg7 : memref<128x128xf32, #tpu.memory_space<vmem>>) target_semaphore(%run_scoped3A : memref<!tpu.dma_semaphore, #tpu.memory_space<semaphore_mem>>)
      tpu.wait_dma2 semaphore(%run_scoped3A : memref<!tpu.dma_semaphore, #tpu.memory_space<semaphore_mem>>) src(%arg3 : memref<128x128xf32, #tpu.memory_space<hbm>>) dst(%arg7 : memref<128x128xf32, #tpu.memory_space<vmem>>)
      tpu.yield
    }) : () -> ()
    %mul3A = arith.constant 640 : i32
    %mul3A_0 = arith.muli %arg1, %mul3A : i32
    "tpu.region"() ({
      %run_scoped3A = tpu.sem_alloc : memref<!tpu.dma_semaphore, #tpu.memory_space<semaphore_mem>>
      %dma_start3A = arith.constant 0 : i32
      %dma_start3A_19 = tpu.memref_slice %arg8[%mul3A_0, %dma_start3A] : memref<10240x128xf32, #tpu.memory_space<vmem_shared>> -> memref<640x128xf32, #tpu.memory_space<vmem_shared>>
      tpu.enqueue_dma source(%arg4 : memref<640x128xf32, #tpu.memory_space<hbm>>) target(%dma_start3A_19 : memref<640x128xf32, #tpu.memory_space<vmem_shared>>) target_semaphore(%run_scoped3A : memref<!tpu.dma_semaphore, #tpu.memory_space<semaphore_mem>>)
      %dma_wait3A = arith.constant 0 : i32
      %dma_wait3A_20 = tpu.memref_slice %arg8[%mul3A_0, %dma_wait3A] : memref<10240x128xf32, #tpu.memory_space<vmem_shared>> -> memref<640x128xf32, #tpu.memory_space<vmem_shared>>
      tpu.wait_dma2 semaphore(%run_scoped3A : memref<!tpu.dma_semaphore, #tpu.memory_space<semaphore_mem>>) src(%arg4 : memref<640x128xf32, #tpu.memory_space<hbm>>) dst(%dma_wait3A_20 : memref<640x128xf32, #tpu.memory_space<vmem_shared>>)
      tpu.yield
    }) : () -> ()
    %barrier3A = arith.constant 0 : index
    tpu.barrier barrier_id(%barrier3A)
    "tpu.region"() ({
      %run_scoped3A = tpu.sem_alloc : memref<!tpu.dma_semaphore, #tpu.memory_space<semaphore_mem>>
      %dma_start3A = arith.constant 0 : i32
      %dma_start3A_19 = arith.constant 0 : i32
      %dma_start3A_20 = tpu.memref_slice %arg2[%arg0, %arg1, %dma_start3A, %dma_start3A_19] : memref<2x16x79x128xi32, #tpu.memory_space<hbm>> -> memref<1x1x79x128xi32, #tpu.memory_space<hbm>>
      %dma_start3A_21 = tpu.memref_squeeze %dma_start3A_20 : memref<1x1x79x128xi32, #tpu.memory_space<hbm>> -> memref<79x128xi32, #tpu.memory_space<hbm>>
      %dma_start3A_22 = arith.constant 0 : i32
      %dma_start3A_23 = arith.constant 0 : i32
      %dma_start3A_24 = tpu.memref_slice %arg2[%arg0, %arg1, %dma_start3A_22, %dma_start3A_23] : memref<2x16x79x128xi32, #tpu.memory_space<hbm>> -> memref<1x1x79x128xi32, #tpu.memory_space<hbm>>
      %dma_start3A_25 = tpu.memref_squeeze %dma_start3A_24 : memref<1x1x79x128xi32, #tpu.memory_space<hbm>> -> memref<79x128xi32, #tpu.memory_space<hbm>>
      tpu.enqueue_dma source(%dma_start3A_25 : memref<79x128xi32, #tpu.memory_space<hbm>>) target(%arg6 : memref<79x128xi32, #tpu.memory_space<vmem>>) target_semaphore(%run_scoped3A : memref<!tpu.dma_semaphore, #tpu.memory_space<semaphore_mem>>)
      %dma_wait3A = arith.constant 0 : i32
      %dma_wait3A_26 = arith.constant 0 : i32
      %dma_wait3A_27 = tpu.memref_slice %arg2[%arg0, %arg1, %dma_wait3A, %dma_wait3A_26] : memref<2x16x79x128xi32, #tpu.memory_space<hbm>> -> memref<1x1x79x128xi32, #tpu.memory_space<hbm>>
      %dma_wait3A_28 = tpu.memref_squeeze %dma_wait3A_27 : memref<1x1x79x128xi32, #tpu.memory_space<hbm>> -> memref<79x128xi32, #tpu.memory_space<hbm>>
      %dma_wait3A_29 = arith.constant 0 : i32
      %dma_wait3A_30 = arith.constant 0 : i32
      %dma_wait3A_31 = tpu.memref_slice %arg2[%arg0, %arg1, %dma_wait3A_29, %dma_wait3A_30] : memref<2x16x79x128xi32, #tpu.memory_space<hbm>> -> memref<1x1x79x128xi32, #tpu.memory_space<hbm>>
      %dma_wait3A_32 = tpu.memref_squeeze %dma_wait3A_31 : memref<1x1x79x128xi32, #tpu.memory_space<hbm>> -> memref<79x128xi32, #tpu.memory_space<hbm>>
      tpu.wait_dma2 semaphore(%run_scoped3A : memref<!tpu.dma_semaphore, #tpu.memory_space<semaphore_mem>>) src(%dma_wait3A_32 : memref<79x128xi32, #tpu.memory_space<hbm>>) dst(%arg6 : memref<79x128xi32, #tpu.memory_space<vmem>>)
      tpu.yield
    }) : () -> ()
    %scan3A = arith.constant 0 : i32
    %scan3A_1 = arith.constant 0 : i32
    %scan3A_2 = arith.constant 79 : i32
    %scan3A_3 = arith.addi %scan3A_1, %scan3A_2 : i32
    %scan3A_4 = arith.constant 1 : i32
    %scan3A_5 = scf.for %scan3A_19 = %scan3A_1 to %scan3A_3 step %scan3A_4 iter_args(%scan3A_20 = %scan3A) -> (i32)  : i32 {
      %rem3A = arith.constant 8 : i32
      %rem3A_21 = arith.remsi %scan3A_19, %rem3A : i32
      %ge3A = arith.constant 8 : i32
      %ge3A_22 = arith.cmpi sge, %scan3A_19, %ge3A : i32
      %convert_element_type3A = arith.extui %ge3A_22 : i1 to i32
      %cond3A = arith.constant 0 : i32
      %cond3A_23 = arith.cmpi ne, %convert_element_type3A, %cond3A : i32
      scf.if %cond3A_23 {
        %dma_wait3A = tpu.memref_slice %arg9[%rem3A_21] : memref<8x!tpu.dma_semaphore, #tpu.memory_space<semaphore_mem>> -> memref<1x!tpu.dma_semaphore, #tpu.memory_space<semaphore_mem>>
        %dma_wait3A_32 = tpu.memref_squeeze %dma_wait3A : memref<1x!tpu.dma_semaphore, #tpu.memory_space<semaphore_mem>> -> memref<!tpu.dma_semaphore, #tpu.memory_space<semaphore_mem>>
        tpu.wait_dma2 semaphore(%dma_wait3A_32 : memref<!tpu.dma_semaphore, #tpu.memory_space<semaphore_mem>>) src(%arg3 : memref<128x128xf32, #tpu.memory_space<hbm>>) dst(%arg7 : memref<128x128xf32, #tpu.memory_space<vmem>>)
      } else {
      }
      %dma_start3A = arith.constant 0 : i32
      %dma_start3A_24 = tpu.memref_slice %arg6[%scan3A_19, %dma_start3A] : memref<79x128xi32, #tpu.memory_space<vmem>> -> memref<1x128xi32, #tpu.memory_space<vmem>>
      %dma_start3A_25 = tpu.memref_squeeze %dma_start3A_24 : memref<1x128xi32, #tpu.memory_space<vmem>> -> memref<128xi32, #tpu.memory_space<vmem>>
      %dma_start3A_26 = arith.constant 0 : i32
      %dma_start3A_27 = arith.constant 0 : i32
      %dma_start3A_28 = tpu.memref_slice %arg8[%dma_start3A_26, %dma_start3A_27] : memref<10240x128xf32, #tpu.memory_space<vmem_shared>> -> memref<10240x128xf32, #tpu.memory_space<vmem_shared>>
      %dma_start3A_29 = tpu.memref_slice %arg9[%rem3A_21] : memref<8x!tpu.dma_semaphore, #tpu.memory_space<semaphore_mem>> -> memref<1x!tpu.dma_semaphore, #tpu.memory_space<semaphore_mem>>
      %dma_start3A_30 = tpu.memref_squeeze %dma_start3A_29 : memref<1x!tpu.dma_semaphore, #tpu.memory_space<semaphore_mem>> -> memref<!tpu.dma_semaphore, #tpu.memory_space<semaphore_mem>>
      tpu.enqueue_indirect_dma source(%arg7 : memref<128x128xf32, #tpu.memory_space<vmem>>) target(%dma_start3A_28 : memref<10240x128xf32, #tpu.memory_space<vmem_shared>>) offsets(%dma_start3A_25 : memref<128xi32, #tpu.memory_space<vmem>>) semaphore(%dma_start3A_30 : memref<!tpu.dma_semaphore, #tpu.memory_space<semaphore_mem>>) {add = true}
      %scan3A_31 = arith.constant 0 : i32
      scf.yield %scan3A_31 : i32
    }
    %scan3A_6 = arith.constant 79 : i32
    %scan3A_7 = arith.constant 0 : i32
    %scan3A_8 = arith.constant 71 : i32
    %scan3A_9 = arith.constant 8 : i32
    %scan3A_10 = arith.addi %scan3A_8, %scan3A_9 : i32
    %scan3A_11 = arith.constant 1 : i32
    %scan3A_12 = scf.for %scan3A_19 = %scan3A_8 to %scan3A_10 step %scan3A_11 iter_args(%scan3A_20 = %scan3A_7) -> (i32)  : i32 {
      %rem3A = arith.constant 8 : i32
      %rem3A_21 = arith.remsi %scan3A_19, %rem3A : i32
      %dma_wait3A = tpu.memref_slice %arg9[%rem3A_21] : memref<8x!tpu.dma_semaphore, #tpu.memory_space<semaphore_mem>> -> memref<1x!tpu.dma_semaphore, #tpu.memory_space<semaphore_mem>>
      %dma_wait3A_22 = tpu.memref_squeeze %dma_wait3A : memref<1x!tpu.dma_semaphore, #tpu.memory_space<semaphore_mem>> -> memref<!tpu.dma_semaphore, #tpu.memory_space<semaphore_mem>>
      tpu.wait_dma2 semaphore(%dma_wait3A_22 : memref<!tpu.dma_semaphore, #tpu.memory_space<semaphore_mem>>) src(%arg3 : memref<128x128xf32, #tpu.memory_space<hbm>>) dst(%arg7 : memref<128x128xf32, #tpu.memory_space<vmem>>)
      %scan3A_23 = arith.constant 0 : i32
      scf.yield %scan3A_23 : i32
    }
    %scan3A_13 = arith.constant 8 : i32
    %barrier3A_14 = arith.constant 0 : index
    tpu.barrier barrier_id(%barrier3A_14)
    %mul3A_15 = arith.constant 640 : i32
    %mul3A_16 = arith.muli %arg1, %mul3A_15 : i32
    %mul3A_17 = arith.constant 640 : i32
    %mul3A_18 = arith.muli %arg1, %mul3A_17 : i32
    "tpu.region"() ({
      %run_scoped3A = tpu.sem_alloc : memref<!tpu.dma_semaphore, #tpu.memory_space<semaphore_mem>>
      %dma_start3A = arith.constant 0 : i32
      %dma_start3A_19 = tpu.memref_slice %arg5[%arg0, %mul3A_18, %dma_start3A] : memref<2x10240x128xf32, #tpu.memory_space<hbm>> -> memref<1x640x128xf32, #tpu.memory_space<hbm>>
      %dma_start3A_20 = tpu.memref_squeeze %dma_start3A_19 : memref<1x640x128xf32, #tpu.memory_space<hbm>> -> memref<640x128xf32, #tpu.memory_space<hbm>>
      %dma_start3A_21 = arith.constant 0 : i32
      %dma_start3A_22 = tpu.memref_slice %arg8[%mul3A_16, %dma_start3A_21] : memref<10240x128xf32, #tpu.memory_space<vmem_shared>> -> memref<640x128xf32, #tpu.memory_space<vmem_shared>>
      tpu.enqueue_dma source(%dma_start3A_22 : memref<640x128xf32, #tpu.memory_space<vmem_shared>>) target(%dma_start3A_20 : memref<640x128xf32, #tpu.memory_space<hbm>>) target_semaphore(%run_scoped3A : memref<!tpu.dma_semaphore, #tpu.memory_space<semaphore_mem>>)
      %dma_wait3A = arith.constant 0 : i32
      %dma_wait3A_23 = tpu.memref_slice %arg5[%arg0, %mul3A_18, %dma_wait3A] : memref<2x10240x128xf32, #tpu.memory_space<hbm>> -> memref<1x640x128xf32, #tpu.memory_space<hbm>>
      %dma_wait3A_24 = tpu.memref_squeeze %dma_wait3A_23 : memref<1x640x128xf32, #tpu.memory_space<hbm>> -> memref<640x128xf32, #tpu.memory_space<hbm>>
      %dma_wait3A_25 = arith.constant 0 : i32
      %dma_wait3A_26 = tpu.memref_slice %arg8[%mul3A_16, %dma_wait3A_25] : memref<10240x128xf32, #tpu.memory_space<vmem_shared>> -> memref<640x128xf32, #tpu.memory_space<vmem_shared>>
      tpu.wait_dma2 semaphore(%run_scoped3A : memref<!tpu.dma_semaphore, #tpu.memory_space<semaphore_mem>>) src(%dma_wait3A_26 : memref<640x128xf32, #tpu.memory_space<vmem_shared>>) dst(%dma_wait3A_24 : memref<640x128xf32, #tpu.memory_space<hbm>>)
      tpu.yield
    }) : () -> ()
    return
  }
}

#map = affine_map<(d0, d1) -> (0, 0)>
#map1 = affine_map<(d0, d1) -> (0, 0, 0, 0, 0)>
#map2 = affine_map<(d0, d1) -> (0, 0, 0)>
module attributes {stable_mosaic.version = 14 : i64} {
  func.func @scat_kernel(%arg0: i32, %arg1: i32, %arg2: memref<10240x128xf32, #tpu.memory_space<hbm>>, %arg3: memref<2x16x79x2x128xi32, #tpu.memory_space<hbm>>, %arg4: memref<640x128xf32, #tpu.memory_space<hbm>>, %arg5: memref<2x10240x128xf32, #tpu.memory_space<hbm>>, %arg6: memref<79x2x128xi32, #tpu.memory_space<vmem>>, %arg7: memref<128x128xf32, #tpu.memory_space<vmem>>, %arg8: memref<10240x128xf32, #tpu.memory_space<vmem_shared>>) attributes {dimension_semantics = [#tpu.dimension_semantics<core_parallel>, #tpu.dimension_semantics<subcore_parallel>], iteration_bounds = array<i64: 2, 16>, scalar_prefetch = 0 : i64, scratch_operands = 3 : i64, tpu.core_type = #tpu.core_type<sc_vector_subcore>, window_params = [{transform_indices = #map}, {transform_indices = #map1}, {transform_indices = #map}, {transform_indices = #map2}]} {
    %mul3A = arith.constant 640 : i32
    %mul3A_0 = arith.muli %arg1, %mul3A : i32
    "tpu.region"() ({
      %run_scoped3A = tpu.sem_alloc : memref<!tpu.dma_semaphore, #tpu.memory_space<semaphore_mem>>
      %dma_start3A = arith.constant 0 : i32
      %dma_start3A_12 = tpu.memref_slice %arg8[%mul3A_0, %dma_start3A] : memref<10240x128xf32, #tpu.memory_space<vmem_shared>> -> memref<640x128xf32, #tpu.memory_space<vmem_shared>>
      tpu.enqueue_dma source(%arg4 : memref<640x128xf32, #tpu.memory_space<hbm>>) target(%dma_start3A_12 : memref<640x128xf32, #tpu.memory_space<vmem_shared>>) target_semaphore(%run_scoped3A : memref<!tpu.dma_semaphore, #tpu.memory_space<semaphore_mem>>)
      %dma_wait3A = arith.constant 0 : i32
      %dma_wait3A_13 = tpu.memref_slice %arg8[%mul3A_0, %dma_wait3A] : memref<10240x128xf32, #tpu.memory_space<vmem_shared>> -> memref<640x128xf32, #tpu.memory_space<vmem_shared>>
      tpu.wait_dma2 semaphore(%run_scoped3A : memref<!tpu.dma_semaphore, #tpu.memory_space<semaphore_mem>>) src(%arg4 : memref<640x128xf32, #tpu.memory_space<hbm>>) dst(%dma_wait3A_13 : memref<640x128xf32, #tpu.memory_space<vmem_shared>>)
      tpu.yield
    }) : () -> ()
    %barrier3A = arith.constant 0 : index
    tpu.barrier barrier_id(%barrier3A)
    "tpu.region"() ({
      %run_scoped3A = tpu.sem_alloc : memref<!tpu.dma_semaphore, #tpu.memory_space<semaphore_mem>>
      %dma_start3A = arith.constant 0 : i32
      %dma_start3A_12 = arith.constant 0 : i32
      %dma_start3A_13 = arith.constant 0 : i32
      %dma_start3A_14 = tpu.memref_slice %arg3[%arg0, %arg1, %dma_start3A, %dma_start3A_12, %dma_start3A_13] : memref<2x16x79x2x128xi32, #tpu.memory_space<hbm>> -> memref<1x1x79x2x128xi32, #tpu.memory_space<hbm>>
      %dma_start3A_15 = tpu.memref_squeeze %dma_start3A_14 : memref<1x1x79x2x128xi32, #tpu.memory_space<hbm>> -> memref<79x2x128xi32, #tpu.memory_space<hbm>>
      %dma_start3A_16 = arith.constant 0 : i32
      %dma_start3A_17 = arith.constant 0 : i32
      %dma_start3A_18 = arith.constant 0 : i32
      %dma_start3A_19 = tpu.memref_slice %arg3[%arg0, %arg1, %dma_start3A_16, %dma_start3A_17, %dma_start3A_18] : memref<2x16x79x2x128xi32, #tpu.memory_space<hbm>> -> memref<1x1x79x2x128xi32, #tpu.memory_space<hbm>>
      %dma_start3A_20 = tpu.memref_squeeze %dma_start3A_19 : memref<1x1x79x2x128xi32, #tpu.memory_space<hbm>> -> memref<79x2x128xi32, #tpu.memory_space<hbm>>
      tpu.enqueue_dma source(%dma_start3A_20 : memref<79x2x128xi32, #tpu.memory_space<hbm>>) target(%arg6 : memref<79x2x128xi32, #tpu.memory_space<vmem>>) target_semaphore(%run_scoped3A : memref<!tpu.dma_semaphore, #tpu.memory_space<semaphore_mem>>)
      %dma_wait3A = arith.constant 0 : i32
      %dma_wait3A_21 = arith.constant 0 : i32
      %dma_wait3A_22 = arith.constant 0 : i32
      %dma_wait3A_23 = tpu.memref_slice %arg3[%arg0, %arg1, %dma_wait3A, %dma_wait3A_21, %dma_wait3A_22] : memref<2x16x79x2x128xi32, #tpu.memory_space<hbm>> -> memref<1x1x79x2x128xi32, #tpu.memory_space<hbm>>
      %dma_wait3A_24 = tpu.memref_squeeze %dma_wait3A_23 : memref<1x1x79x2x128xi32, #tpu.memory_space<hbm>> -> memref<79x2x128xi32, #tpu.memory_space<hbm>>
      %dma_wait3A_25 = arith.constant 0 : i32
      %dma_wait3A_26 = arith.constant 0 : i32
      %dma_wait3A_27 = arith.constant 0 : i32
      %dma_wait3A_28 = tpu.memref_slice %arg3[%arg0, %arg1, %dma_wait3A_25, %dma_wait3A_26, %dma_wait3A_27] : memref<2x16x79x2x128xi32, #tpu.memory_space<hbm>> -> memref<1x1x79x2x128xi32, #tpu.memory_space<hbm>>
      %dma_wait3A_29 = tpu.memref_squeeze %dma_wait3A_28 : memref<1x1x79x2x128xi32, #tpu.memory_space<hbm>> -> memref<79x2x128xi32, #tpu.memory_space<hbm>>
      tpu.wait_dma2 semaphore(%run_scoped3A : memref<!tpu.dma_semaphore, #tpu.memory_space<semaphore_mem>>) src(%dma_wait3A_29 : memref<79x2x128xi32, #tpu.memory_space<hbm>>) dst(%arg6 : memref<79x2x128xi32, #tpu.memory_space<vmem>>)
      tpu.yield
    }) : () -> ()
    %scan3A = arith.constant 0 : i32
    %scan3A_1 = arith.constant 0 : i32
    %scan3A_2 = arith.constant 79 : i32
    %scan3A_3 = arith.addi %scan3A_1, %scan3A_2 : i32
    %scan3A_4 = arith.constant 1 : i32
    %scan3A_5 = scf.for %scan3A_12 = %scan3A_1 to %scan3A_3 step %scan3A_4 iter_args(%scan3A_13 = %scan3A) -> (i32)  : i32 {
      %run_scoped3A = arith.constant 0 : i32
      "tpu.region"() ({
        %run_scoped3A_16 = tpu.sem_alloc : memref<!tpu.dma_semaphore, #tpu.memory_space<semaphore_mem>>
        %dma_start3A = arith.constant 0 : i32
        %dma_start3A_17 = tpu.memref_slice %arg6[%scan3A_12, %run_scoped3A, %dma_start3A] : memref<79x2x128xi32, #tpu.memory_space<vmem>> -> memref<1x1x128xi32, #tpu.memory_space<vmem>>
        %dma_start3A_18 = tpu.memref_squeeze %dma_start3A_17 : memref<1x1x128xi32, #tpu.memory_space<vmem>> -> memref<128xi32, #tpu.memory_space<vmem>>
        %dma_start3A_19 = arith.constant 0 : i32
        %dma_start3A_20 = arith.constant 0 : i32
        %dma_start3A_21 = tpu.memref_slice %arg2[%dma_start3A_19, %dma_start3A_20] : memref<10240x128xf32, #tpu.memory_space<hbm>> -> memref<10240x128xf32, #tpu.memory_space<hbm>>
        tpu.enqueue_indirect_dma source(%dma_start3A_21 : memref<10240x128xf32, #tpu.memory_space<hbm>>) target(%arg7 : memref<128x128xf32, #tpu.memory_space<vmem>>) offsets(%dma_start3A_18 : memref<128xi32, #tpu.memory_space<vmem>>) semaphore(%run_scoped3A_16 : memref<!tpu.dma_semaphore, #tpu.memory_space<semaphore_mem>>)
        %dma_wait3A = arith.constant 0 : i32
        %dma_wait3A_22 = tpu.memref_slice %arg6[%scan3A_12, %run_scoped3A, %dma_wait3A] : memref<79x2x128xi32, #tpu.memory_space<vmem>> -> memref<1x1x128xi32, #tpu.memory_space<vmem>>
        %dma_wait3A_23 = tpu.memref_squeeze %dma_wait3A_22 : memref<1x1x128xi32, #tpu.memory_space<vmem>> -> memref<128xi32, #tpu.memory_space<vmem>>
        %dma_wait3A_24 = arith.constant 0 : i32
        %dma_wait3A_25 = arith.constant 0 : i32
        %dma_wait3A_26 = tpu.memref_slice %arg2[%dma_wait3A_24, %dma_wait3A_25] : memref<10240x128xf32, #tpu.memory_space<hbm>> -> memref<10240x128xf32, #tpu.memory_space<hbm>>
        tpu.wait_indirect_dma semaphore(%run_scoped3A_16 : memref<!tpu.dma_semaphore, #tpu.memory_space<semaphore_mem>>) src(%dma_wait3A_26 : memref<10240x128xf32, #tpu.memory_space<hbm>>) dst(%arg7 : memref<128x128xf32, #tpu.memory_space<vmem>>)
        tpu.yield
      }) : () -> ()
      %run_scoped3A_14 = arith.constant 1 : i32
      "tpu.region"() ({
        %run_scoped3A_16 = tpu.sem_alloc : memref<!tpu.dma_semaphore, #tpu.memory_space<semaphore_mem>>
        %dma_start3A = arith.constant 0 : i32
        %dma_start3A_17 = tpu.memref_slice %arg6[%scan3A_12, %run_scoped3A_14, %dma_start3A] : memref<79x2x128xi32, #tpu.memory_space<vmem>> -> memref<1x1x128xi32, #tpu.memory_space<vmem>>
        %dma_start3A_18 = tpu.memref_squeeze %dma_start3A_17 : memref<1x1x128xi32, #tpu.memory_space<vmem>> -> memref<128xi32, #tpu.memory_space<vmem>>
        %dma_start3A_19 = arith.constant 0 : i32
        %dma_start3A_20 = arith.constant 0 : i32
        %dma_start3A_21 = tpu.memref_slice %arg8[%dma_start3A_19, %dma_start3A_20] : memref<10240x128xf32, #tpu.memory_space<vmem_shared>> -> memref<10240x128xf32, #tpu.memory_space<vmem_shared>>
        tpu.enqueue_indirect_dma source(%arg7 : memref<128x128xf32, #tpu.memory_space<vmem>>) target(%dma_start3A_21 : memref<10240x128xf32, #tpu.memory_space<vmem_shared>>) offsets(%dma_start3A_18 : memref<128xi32, #tpu.memory_space<vmem>>) semaphore(%run_scoped3A_16 : memref<!tpu.dma_semaphore, #tpu.memory_space<semaphore_mem>>) {add = true}
        %dma_wait3A = arith.constant 0 : i32
        %dma_wait3A_22 = tpu.memref_slice %arg6[%scan3A_12, %run_scoped3A_14, %dma_wait3A] : memref<79x2x128xi32, #tpu.memory_space<vmem>> -> memref<1x1x128xi32, #tpu.memory_space<vmem>>
        %dma_wait3A_23 = tpu.memref_squeeze %dma_wait3A_22 : memref<1x1x128xi32, #tpu.memory_space<vmem>> -> memref<128xi32, #tpu.memory_space<vmem>>
        %dma_wait3A_24 = arith.constant 0 : i32
        %dma_wait3A_25 = arith.constant 0 : i32
        %dma_wait3A_26 = tpu.memref_slice %arg8[%dma_wait3A_24, %dma_wait3A_25] : memref<10240x128xf32, #tpu.memory_space<vmem_shared>> -> memref<10240x128xf32, #tpu.memory_space<vmem_shared>>
        tpu.wait_indirect_dma semaphore(%run_scoped3A_16 : memref<!tpu.dma_semaphore, #tpu.memory_space<semaphore_mem>>) src(%arg7 : memref<128x128xf32, #tpu.memory_space<vmem>>) dst(%dma_wait3A_26 : memref<10240x128xf32, #tpu.memory_space<vmem_shared>>)
        tpu.yield
      }) : () -> ()
      %scan3A_15 = arith.constant 0 : i32
      scf.yield %scan3A_15 : i32
    }
    %scan3A_6 = arith.constant 79 : i32
    %barrier3A_7 = arith.constant 0 : index
    tpu.barrier barrier_id(%barrier3A_7)
    %mul3A_8 = arith.constant 640 : i32
    %mul3A_9 = arith.muli %arg1, %mul3A_8 : i32
    %mul3A_10 = arith.constant 640 : i32
    %mul3A_11 = arith.muli %arg1, %mul3A_10 : i32
    "tpu.region"() ({
      %run_scoped3A = tpu.sem_alloc : memref<!tpu.dma_semaphore, #tpu.memory_space<semaphore_mem>>
      %dma_start3A = arith.constant 0 : i32
      %dma_start3A_12 = tpu.memref_slice %arg5[%arg0, %mul3A_11, %dma_start3A] : memref<2x10240x128xf32, #tpu.memory_space<hbm>> -> memref<1x640x128xf32, #tpu.memory_space<hbm>>
      %dma_start3A_13 = tpu.memref_squeeze %dma_start3A_12 : memref<1x640x128xf32, #tpu.memory_space<hbm>> -> memref<640x128xf32, #tpu.memory_space<hbm>>
      %dma_start3A_14 = arith.constant 0 : i32
      %dma_start3A_15 = tpu.memref_slice %arg8[%mul3A_9, %dma_start3A_14] : memref<10240x128xf32, #tpu.memory_space<vmem_shared>> -> memref<640x128xf32, #tpu.memory_space<vmem_shared>>
      tpu.enqueue_dma source(%dma_start3A_15 : memref<640x128xf32, #tpu.memory_space<vmem_shared>>) target(%dma_start3A_13 : memref<640x128xf32, #tpu.memory_space<hbm>>) target_semaphore(%run_scoped3A : memref<!tpu.dma_semaphore, #tpu.memory_space<semaphore_mem>>)
      %dma_wait3A = arith.constant 0 : i32
      %dma_wait3A_16 = tpu.memref_slice %arg5[%arg0, %mul3A_11, %dma_wait3A] : memref<2x10240x128xf32, #tpu.memory_space<hbm>> -> memref<1x640x128xf32, #tpu.memory_space<hbm>>
      %dma_wait3A_17 = tpu.memref_squeeze %dma_wait3A_16 : memref<1x640x128xf32, #tpu.memory_space<hbm>> -> memref<640x128xf32, #tpu.memory_space<hbm>>
      %dma_wait3A_18 = arith.constant 0 : i32
      %dma_wait3A_19 = tpu.memref_slice %arg8[%mul3A_9, %dma_wait3A_18] : memref<10240x128xf32, #tpu.memory_space<vmem_shared>> -> memref<640x128xf32, #tpu.memory_space<vmem_shared>>
      tpu.wait_dma2 semaphore(%run_scoped3A : memref<!tpu.dma_semaphore, #tpu.memory_space<semaphore_mem>>) src(%dma_wait3A_19 : memref<640x128xf32, #tpu.memory_space<vmem_shared>>) dst(%dma_wait3A_17 : memref<640x128xf32, #tpu.memory_space<hbm>>)
      tpu.yield
    }) : () -> ()
    return
  }
}

module attributes {stable_mosaic.version = 14 : i64} {
  func.func @_tc1_body(%arg0: i32, %arg1: memref<10240x128xf32, #tpu.memory_space<vmem>>, %arg2: memref<128x128xf32, #tpu.memory_space<vmem>>, %arg3: memref<10240x128xf32, #tpu.memory_space<vmem>>, %arg4: memref<10240x128xf32, #tpu.memory_space<vmem>>, %arg5: memref<10240x128xf32, #tpu.memory_space<vmem>>) attributes {dimension_semantics = [#tpu.dimension_semantics<arbitrary>], iteration_bounds = array<i64: 1>, scalar_prefetch = 0 : i64, scratch_operands = 0 : i64, tpu.core_type = #tpu.core_type<tc>, window_params = [{transform_indices = @transform_0, window_bounds = array<i64: 10240, 128>}, {pipeline_mode = #tpu.pipeline_mode<synchronous>, transform_indices = @transform_1, window_bounds = array<i64: 128, 128>}, {transform_indices = @transform_2, window_bounds = array<i64: 10240, 128>}, {transform_indices = @transform_3, window_bounds = array<i64: 10240, 128>}, {transform_indices = @transform_4, window_bounds = array<i64: 10240, 128>}]} {
    %get3A = arith.constant 0 : index
    %get3A_0 = arith.constant 0 : index
    %get3A_1 = vector.load %arg1[%get3A, %get3A_0] : memref<10240x128xf32, #tpu.memory_space<vmem>>, vector<10240x128xf32>
    %get3A_2 = arith.constant 0 : index
    %get3A_3 = arith.constant 0 : index
    %get3A_4 = vector.load %arg2[%get3A_2, %get3A_3] : memref<128x128xf32, #tpu.memory_space<vmem>>, vector<128x128xf32>
    %dot_general3A = arith.constant dense<0.000000e+00> : vector<10240x128xf32>
    %dot_general3A_5 = tpu.matmul %get3A_1, %get3A_4, %dot_general3A {dimension_numbers = #tpu.dot_dimension_numbers<[1], [0], [0], [1], [0, 0, 1, 1], [], []>, transpose_lhs_hint = false} : vector<10240x128xf32>, vector<128x128xf32>, vector<10240x128xf32> -> vector<10240x128xf32>
    %get3A_6 = arith.constant 0 : index
    %get3A_7 = arith.constant 0 : index
    %get3A_8 = vector.load %arg3[%get3A_6, %get3A_7] : memref<10240x128xf32, #tpu.memory_space<vmem>>, vector<10240x1xf32>
    %add3A = arith.constant 1.000000e+00 : f32
    %add3A_9 = vector.broadcast %add3A : f32 to vector<10240x1xf32>
    %add3A_10 = arith.addf %add3A_9, %get3A_8 : vector<10240x1xf32>
    %get3A_11 = arith.constant 0 : index
    %get3A_12 = arith.constant 0 : index
    %get3A_13 = vector.load %arg4[%get3A_11, %get3A_12] : memref<10240x128xf32, #tpu.memory_space<vmem>>, vector<10240x1xf32>
    %add3A_14 = arith.addf %add3A_10, %get3A_13 : vector<10240x1xf32>
    %rsqrt3A = math.rsqrt %add3A_14 : vector<10240x1xf32>
    %mul3A = vector.broadcast %rsqrt3A : vector<10240x1xf32> to vector<10240x128xf32>
    %mul3A_15 = arith.mulf %dot_general3A_5, %mul3A : vector<10240x128xf32>
    %swap3A = arith.constant 0 : index
    %swap3A_16 = arith.constant 0 : index
    %swap3A_17 = vector.load %arg5[%swap3A, %swap3A_16] : memref<10240x128xf32, #tpu.memory_space<vmem>>, vector<10240x128xf32>
    tpu.vector_store %arg5[%swap3A, %swap3A_16], %mul3A_15 {strides = array<i32>} : memref<10240x128xf32, #tpu.memory_space<vmem>>, vector<10240x128xf32>,
    return
  }
  func.func @transform_0(%arg0: i32) -> (i32, i32) {
    %c0_i32 = arith.constant 0 : i32
    %c0_i32_0 = arith.constant 0 : i32
    return %arg0, %c0_i32 : i32, i32
  }
  func.func @transform_1(%arg0: i32) -> (i32, i32) {
    %c0_i32 = arith.constant 0 : i32
    %c0_i32_0 = arith.constant 0 : i32
    %c0_i32_1 = arith.constant 0 : i32
    return %c0_i32, %c0_i32_0 : i32, i32
  }
  func.func @transform_2(%arg0: i32) -> (i32, i32) {
    %c0_i32 = arith.constant 0 : i32
    %c0_i32_0 = arith.constant 0 : i32
    return %arg0, %c0_i32 : i32, i32
  }
  func.func @transform_3(%arg0: i32) -> (i32, i32) {
    %c0_i32 = arith.constant 0 : i32
    %c0_i32_0 = arith.constant 0 : i32
    return %arg0, %c0_i32 : i32, i32
  }
  func.func @transform_4(%arg0: i32) -> (i32, i32) {
    %c0_i32 = arith.constant 0 : i32
    %c0_i32_0 = arith.constant 0 : i32
    return %arg0, %c0_i32 : i32, i32
  }
}

module attributes {stable_mosaic.version = 14 : i64} {
  func.func @_tc2_body(%arg0: i32, %arg1: memref<10240x128xf32, #tpu.memory_space<vmem>>, %arg2: memref<10240x128xf32, #tpu.memory_space<vmem>>, %arg3: memref<10240x128xf32, #tpu.memory_space<vmem>>, %arg4: memref<10240x128xf32, #tpu.memory_space<vmem>>, %arg5: memref<10240x128xf32, #tpu.memory_space<vmem>>, %arg6: memref<1x128xf32, #tpu.memory_space<vmem>>, %arg7: memref<128x128xf32, #tpu.memory_space<vmem>>, %arg8: memref<10240x128xf32, #tpu.memory_space<vmem>>) attributes {dimension_semantics = [#tpu.dimension_semantics<arbitrary>], iteration_bounds = array<i64: 1>, scalar_prefetch = 0 : i64, scratch_operands = 0 : i64, tpu.core_type = #tpu.core_type<tc>, window_params = [{transform_indices = @transform_0, window_bounds = array<i64: 10240, 128>}, {transform_indices = @transform_1, window_bounds = array<i64: 10240, 128>}, {transform_indices = @transform_2, window_bounds = array<i64: 10240, 128>}, {transform_indices = @transform_3, window_bounds = array<i64: 10240, 128>}, {transform_indices = @transform_4, window_bounds = array<i64: 10240, 128>}, {pipeline_mode = #tpu.pipeline_mode<synchronous>, transform_indices = @transform_5, window_bounds = array<i64: 1, 128>}, {pipeline_mode = #tpu.pipeline_mode<synchronous>, transform_indices = @transform_6, window_bounds = array<i64: 128, 128>}, {transform_indices = @transform_7, window_bounds = array<i64: 10240, 128>}]} {
    %get3A = arith.constant 0 : index
    %get3A_0 = arith.constant 0 : index
    %get3A_1 = vector.load %arg4[%get3A, %get3A_0] : memref<10240x128xf32, #tpu.memory_space<vmem>>, vector<10240x1xf32>
    %add3A = arith.constant 1.000000e+00 : f32
    %add3A_2 = vector.broadcast %add3A : f32 to vector<10240x1xf32>
    %add3A_3 = arith.addf %add3A_2, %get3A_1 : vector<10240x1xf32>
    %get3A_4 = arith.constant 0 : index
    %get3A_5 = arith.constant 0 : index
    %get3A_6 = vector.load %arg5[%get3A_4, %get3A_5] : memref<10240x128xf32, #tpu.memory_space<vmem>>, vector<10240x1xf32>
    %add3A_7 = arith.addf %add3A_3, %get3A_6 : vector<10240x1xf32>
    %rsqrt3A = math.rsqrt %add3A_7 : vector<10240x1xf32>
    %get3A_8 = arith.constant 0 : index
    %get3A_9 = arith.constant 0 : index
    %get3A_10 = vector.load %arg1[%get3A_8, %get3A_9] : memref<10240x128xf32, #tpu.memory_space<vmem>>, vector<10240x128xf32>
    %get3A_11 = arith.constant 0 : index
    %get3A_12 = arith.constant 0 : index
    %get3A_13 = vector.load %arg2[%get3A_11, %get3A_12] : memref<10240x128xf32, #tpu.memory_space<vmem>>, vector<10240x128xf32>
    %add3A_14 = arith.addf %get3A_10, %get3A_13 : vector<10240x128xf32>
    %get3A_15 = arith.constant 0 : index
    %get3A_16 = arith.constant 0 : index
    %get3A_17 = vector.load %arg3[%get3A_15, %get3A_16] : memref<10240x128xf32, #tpu.memory_space<vmem>>, vector<10240x128xf32>
    %add3A_18 = arith.addf %add3A_14, %get3A_17 : vector<10240x128xf32>
    %mul3A = vector.broadcast %rsqrt3A : vector<10240x1xf32> to vector<10240x128xf32>
    %mul3A_19 = arith.mulf %mul3A, %add3A_18 : vector<10240x128xf32>
    %get3A_20 = arith.constant 0 : index
    %get3A_21 = arith.constant 0 : index
    %get3A_22 = vector.load %arg6[%get3A_20, %get3A_21] : memref<1x128xf32, #tpu.memory_space<vmem>>, vector<1x128xf32>
    %add3A_23 = vector.broadcast %get3A_22 : vector<1x128xf32> to vector<10240x128xf32>
    %add3A_24 = arith.addf %mul3A_19, %add3A_23 : vector<10240x128xf32>
    %max3A = arith.constant 0.000000e+00 : f32
    %max3A_25 = vector.broadcast %max3A : f32 to vector<10240x128xf32>
    %max3A_26 = arith.maximumf %add3A_24, %max3A_25 : vector<10240x128xf32>
    %get3A_27 = arith.constant 0 : index
    %get3A_28 = arith.constant 0 : index
    %get3A_29 = vector.load %arg7[%get3A_27, %get3A_28] : memref<128x128xf32, #tpu.memory_space<vmem>>, vector<128x128xf32>
    %dot_general3A = arith.constant dense<0.000000e+00> : vector<10240x128xf32>
    %dot_general3A_30 = tpu.matmul %max3A_26, %get3A_29, %dot_general3A {dimension_numbers = #tpu.dot_dimension_numbers<[1], [0], [0], [1], [0, 0, 1, 1], [], []>, transpose_lhs_hint = false} : vector<10240x128xf32>, vector<128x128xf32>, vector<10240x128xf32> -> vector<10240x128xf32>
    %mul3A_31 = vector.broadcast %rsqrt3A : vector<10240x1xf32> to vector<10240x128xf32>
    %mul3A_32 = arith.mulf %dot_general3A_30, %mul3A_31 : vector<10240x128xf32>
    %swap3A = arith.constant 0 : index
    %swap3A_33 = arith.constant 0 : index
    %swap3A_34 = vector.load %arg8[%swap3A, %swap3A_33] : memref<10240x128xf32, #tpu.memory_space<vmem>>, vector<10240x128xf32>
    tpu.vector_store %arg8[%swap3A, %swap3A_33], %mul3A_32 {strides = array<i32>} : memref<10240x128xf32, #tpu.memory_space<vmem>>, vector<10240x128xf32>,
    return
  }
  func.func @transform_0(%arg0: i32) -> (i32, i32) {
    %c0_i32 = arith.constant 0 : i32
    %c0_i32_0 = arith.constant 0 : i32
    return %arg0, %c0_i32 : i32, i32
  }
  func.func @transform_1(%arg0: i32) -> (i32, i32) {
    %c0_i32 = arith.constant 0 : i32
    %c0_i32_0 = arith.constant 0 : i32
    return %arg0, %c0_i32 : i32, i32
  }
  func.func @transform_2(%arg0: i32) -> (i32, i32) {
    %c0_i32 = arith.constant 0 : i32
    %c0_i32_0 = arith.constant 0 : i32
    return %arg0, %c0_i32 : i32, i32
  }
  func.func @transform_3(%arg0: i32) -> (i32, i32) {
    %c0_i32 = arith.constant 0 : i32
    %c0_i32_0 = arith.constant 0 : i32
    return %arg0, %c0_i32 : i32, i32
  }
  func.func @transform_4(%arg0: i32) -> (i32, i32) {
    %c0_i32 = arith.constant 0 : i32
    %c0_i32_0 = arith.constant 0 : i32
    return %arg0, %c0_i32 : i32, i32
  }
  func.func @transform_5(%arg0: i32) -> (i32, i32) {
    %c0_i32 = arith.constant 0 : i32
    %c0_i32_0 = arith.constant 0 : i32
    %c0_i32_1 = arith.constant 0 : i32
    return %c0_i32, %c0_i32_0 : i32, i32
  }
  func.func @transform_6(%arg0: i32) -> (i32, i32) {
    %c0_i32 = arith.constant 0 : i32
    %c0_i32_0 = arith.constant 0 : i32
    %c0_i32_1 = arith.constant 0 : i32
    return %c0_i32, %c0_i32_0 : i32, i32
  }
  func.func @transform_7(%arg0: i32) -> (i32, i32) {
    %c0_i32 = arith.constant 0 : i32
    %c0_i32_0 = arith.constant 0 : i32
    return %arg0, %c0_i32 : i32, i32
  }
}

module attributes {stable_mosaic.version = 14 : i64} {
  func.func @_tc3_body(%arg0: i32, %arg1: memref<10240x128xf32, #tpu.memory_space<vmem>>, %arg2: memref<10240x128xf32, #tpu.memory_space<vmem>>, %arg3: memref<10240x128xf32, #tpu.memory_space<vmem>>, %arg4: memref<10240x128xf32, #tpu.memory_space<vmem>>, %arg5: memref<10240x128xf32, #tpu.memory_space<vmem>>, %arg6: memref<1x128xf32, #tpu.memory_space<vmem>>, %arg7: memref<10240x128xf32, #tpu.memory_space<vmem>>) attributes {dimension_semantics = [#tpu.dimension_semantics<arbitrary>], iteration_bounds = array<i64: 1>, scalar_prefetch = 0 : i64, scratch_operands = 0 : i64, tpu.core_type = #tpu.core_type<tc>, window_params = [{transform_indices = @transform_0, window_bounds = array<i64: 10240, 128>}, {transform_indices = @transform_1, window_bounds = array<i64: 10240, 128>}, {transform_indices = @transform_2, window_bounds = array<i64: 10240, 128>}, {transform_indices = @transform_3, window_bounds = array<i64: 10240, 128>}, {transform_indices = @transform_4, window_bounds = array<i64: 10240, 128>}, {pipeline_mode = #tpu.pipeline_mode<synchronous>, transform_indices = @transform_5, window_bounds = array<i64: 1, 128>}, {transform_indices = @transform_6, window_bounds = array<i64: 10240, 128>}]} {
    %get3A = arith.constant 0 : index
    %get3A_0 = arith.constant 0 : index
    %get3A_1 = vector.load %arg4[%get3A, %get3A_0] : memref<10240x128xf32, #tpu.memory_space<vmem>>, vector<10240x1xf32>
    %add3A = arith.constant 1.000000e+00 : f32
    %add3A_2 = vector.broadcast %add3A : f32 to vector<10240x1xf32>
    %add3A_3 = arith.addf %add3A_2, %get3A_1 : vector<10240x1xf32>
    %get3A_4 = arith.constant 0 : index
    %get3A_5 = arith.constant 0 : index
    %get3A_6 = vector.load %arg5[%get3A_4, %get3A_5] : memref<10240x128xf32, #tpu.memory_space<vmem>>, vector<10240x1xf32>
    %add3A_7 = arith.addf %add3A_3, %get3A_6 : vector<10240x1xf32>
    %rsqrt3A = math.rsqrt %add3A_7 : vector<10240x1xf32>
    %get3A_8 = arith.constant 0 : index
    %get3A_9 = arith.constant 0 : index
    %get3A_10 = vector.load %arg1[%get3A_8, %get3A_9] : memref<10240x128xf32, #tpu.memory_space<vmem>>, vector<10240x128xf32>
    %get3A_11 = arith.constant 0 : index
    %get3A_12 = arith.constant 0 : index
    %get3A_13 = vector.load %arg2[%get3A_11, %get3A_12] : memref<10240x128xf32, #tpu.memory_space<vmem>>, vector<10240x128xf32>
    %add3A_14 = arith.addf %get3A_10, %get3A_13 : vector<10240x128xf32>
    %get3A_15 = arith.constant 0 : index
    %get3A_16 = arith.constant 0 : index
    %get3A_17 = vector.load %arg3[%get3A_15, %get3A_16] : memref<10240x128xf32, #tpu.memory_space<vmem>>, vector<10240x128xf32>
    %add3A_18 = arith.addf %add3A_14, %get3A_17 : vector<10240x128xf32>
    %mul3A = vector.broadcast %rsqrt3A : vector<10240x1xf32> to vector<10240x128xf32>
    %mul3A_19 = arith.mulf %mul3A, %add3A_18 : vector<10240x128xf32>
    %get3A_20 = arith.constant 0 : index
    %get3A_21 = arith.constant 0 : index
    %get3A_22 = vector.load %arg6[%get3A_20, %get3A_21] : memref<1x128xf32, #tpu.memory_space<vmem>>, vector<1x128xf32>
    %add3A_23 = vector.broadcast %get3A_22 : vector<1x128xf32> to vector<10240x128xf32>
    %add3A_24 = arith.addf %mul3A_19, %add3A_23 : vector<10240x128xf32>
    %swap3A = arith.constant 0 : index
    %swap3A_25 = arith.constant 0 : index
    %swap3A_26 = vector.load %arg7[%swap3A, %swap3A_25] : memref<10240x128xf32, #tpu.memory_space<vmem>>, vector<10240x128xf32>
    tpu.vector_store %arg7[%swap3A, %swap3A_25], %add3A_24 {strides = array<i32>} : memref<10240x128xf32, #tpu.memory_space<vmem>>, vector<10240x128xf32>,
    return
  }
  func.func @transform_0(%arg0: i32) -> (i32, i32) {
    %c0_i32 = arith.constant 0 : i32
    %c0_i32_0 = arith.constant 0 : i32
    return %arg0, %c0_i32 : i32, i32
  }
  func.func @transform_1(%arg0: i32) -> (i32, i32) {
    %c0_i32 = arith.constant 0 : i32
    %c0_i32_0 = arith.constant 0 : i32
    return %arg0, %c0_i32 : i32, i32
  }
  func.func @transform_2(%arg0: i32) -> (i32, i32) {
    %c0_i32 = arith.constant 0 : i32
    %c0_i32_0 = arith.constant 0 : i32
    return %arg0, %c0_i32 : i32, i32
  }
  func.func @transform_3(%arg0: i32) -> (i32, i32) {
    %c0_i32 = arith.constant 0 : i32
    %c0_i32_0 = arith.constant 0 : i32
    return %arg0, %c0_i32 : i32, i32
  }
  func.func @transform_4(%arg0: i32) -> (i32, i32) {
    %c0_i32 = arith.constant 0 : i32
    %c0_i32_0 = arith.constant 0 : i32
    return %arg0, %c0_i32 : i32, i32
  }
  func.func @transform_5(%arg0: i32) -> (i32, i32) {
    %c0_i32 = arith.constant 0 : i32
    %c0_i32_0 = arith.constant 0 : i32
    %c0_i32_1 = arith.constant 0 : i32
    return %c0_i32, %c0_i32_0 : i32, i32
  }
  func.func @transform_6(%arg0: i32) -> (i32, i32) {
    %c0_i32 = arith.constant 0 : i32
    %c0_i32_0 = arith.constant 0 : i32
    return %arg0, %c0_i32 : i32, i32
  }
}

</mosaic_0001>

<sc_bundles>
// kernel: kernel.11.cloned.1.call-start
scs
__scs_entry_jumppad:
0x0: {  	(pc) =	sbr.rel $0x88, $3  }
0x1: {  	(tag) =	ssettag $0x0;
	lr =	simm.s32 $0x1  }
0x2: {  	[smem:$0x3F9B] =	sst lr;
	_ =	strace $0xD0000000  }
0x3: {  	_ = 	snop  }
0x4: {  	_ = 	snop  }
0x5: {  	_ = 	snop  }
0x6: {  	_ = 	snop  }
0x7: {  	_ = 	snop  }
__scs_overlays_trampoline_lowered:
0x8: {  	[smem:$0x3FAA] =	sst s0  }
0x9: {  	[smem:$0x3FAB] =	sst s1  }
0xa: {  	[smem:$0x3FAC] =	sst s2  }
0xb: {  	[smem:$0x3FAD] =	sst s3  }
0xc: {  	[smem:$0x3FAE] =	sst s4  }
0xd: {  	[smem:$0x3FAF] =	sst s5  }
0xe: {  	[smem:$0x3FB0] =	sst s6  }
0xf: {  	[smem:$0x3FB1] =	sst s7  }
0x10: {  	[smem:$0x3FB2] =	sst s8  }
0x11: {  	[smem:$0x3FB3] =	sst s9;
	s0 =	simm.s32 @!p0 $0x0  }
0x12: {  	s1 =	sld [smem:$0x3F99];
	s0 =	simm.s32 @p0 $0x1  }
0x13: {  	[smem:$0x3FB4] =	sst s0;
	s0 =	simm.s32 @!p1 $0x0  }
0x14: {  	s2 =	sld [smem:$0x3F98];
	s0 =	simm.s32 @p1 $0x1  }
0x15: {  	[smem:$0x3FB5] =	sst s0;
	s0 =	simm.s32 @!p2 $0x0  }
0x16: {  	s3 =	sld [smem:$0x3FDB];
	s0 =	simm.s32 @p2 $0x1  }
0x17: {  	s4 =	simm.s32 $0x1BF5;
	[smem:$0x3FB7] =	sst s0  }
0x18: {  	s0 =	sld [smem:$0x3F9A];
	_ =	swait.ge [sflag:s4], $0x0  }
0x19: {  	s7 =	sld [smem:$0x3F9B]  }
0x1a: {  	s8 =	sadd.s32 $0xFFFFE003, lr  }
0x1b: {  	s9 =	sadd.s32 $0xFFFFFEF7, lr;
	s5 =	simm.s32 $0xFFFFFFFF;
	p2 =	slt.u32 s8, $0xFFFFF086  }
0x1c: {  	p1 =	slt.u32 s9, $0xF7A;
	s5 =	simm.s32 @!p2 $0x0  }
0x1d: {  	s5 =	simm.s32 @p1 $0x1;
	p0 =	seq.s32 s7, s2  }
0x1e: {  	s7 =	smul.u32 @!p0 $0xF7A, s2;
	p2 =	seq.s32 @!p0 s5, $0x0  }
0x1f: {  	s9 =	smul.u32 $0xF7A, s1;
	s8 =	simm.s32 @!p0 $0x1BF5;
	p2 =	por !p2, p0  }
0x20: {  	[sflag:s8] =	ssyncset.s32 @!p0 $0xFFFFF086;
	s6 =	sadd.s32 @!p0 s3, s7;
	s7 =	simm.s32 @!p0 $0x108  }
0x21: {  	s3 =	sadd.s32 s3, s9;
	s6 =	sadd.s32 @!p0 $0x88, s6;
	s7 =	simm.s32 @p2 $0x1082  }
0x22: {  	[simem:s7], [sflag:s8] =	dma.local @!p0 [hbm:s6], $0xF7A  }
0x23: {  	s9 =	sor.u32 $0xD0000000, s2;
	s6 =	simm.s32 $0x108;
	_ =	swait.ge @!p0 [sflag:s8], $0x0  }
0x24: {  	s3 =	sadd.s32 $0x88, s3;
	s6 =	simm.s32 @!p1 $0x1082;
	[sflag:s4] =	ssyncset.s32 $0xFFFFF086  }
0x25: {  	[simem:s6], [sflag:s4] =	dma.local [hbm:s3], $0xF7A  }
0x26: {  	[smem:$0x3F9B] =	sst s1;
	(tag) =	ssettag s2;
	_ =	strace s9  }
0x27: {  	s1 =	sld [smem:$0x3FAB]  }
0x28: {  	s2 =	sld [smem:$0x3FAC]  }
0x29: {  	s4 =	sld [smem:$0x3FAE]  }
0x2a: {  	p0 =	seq.s32 s5, $0x0;
	s5 =	sld [smem:$0x3FAF]  }
0x2b: {  	s6 =	sld [smem:$0x3FB0]  }
0x2c: {  	s7 =	sld [smem:$0x3FB1]  }
0x2d: {  	s3 =	simm.s32 $0x108;
	s8 =	sld [smem:$0x3FB2]  }
0x2e: {  	s3 =	simm.s32 @!p0 $0x1082;
	s9 =	sld [smem:$0x3FB3]  }
0x2f: {  	lr =	sadd.s32 s0, s3;
	s0 =	sld [smem:$0x3FAA]  }
0x30: {  	s3 =	sld [smem:$0x3FAD]  }
0x31: {  	[smem:$0x3FB6] =	sst s10  }
0x32: {  	s10 =	sld [smem:$0x3FB4];
	_ =	sdelay $0x3  }
0x33: {  	p0 =	seq.s32 s10, $0x1;
	s10 =	sld [smem:$0x3FB6];
	_ =	sdelay $0x3  }
0x34: {  	[smem:$0x3FB6] =	sst s10  }
0x35: {  	s10 =	sld [smem:$0x3FB5];
	_ =	sdelay $0x3  }
0x36: {  	p1 =	seq.s32 s10, $0x1;
	s10 =	sld [smem:$0x3FB6];
	_ =	sdelay $0x3  }
0x37: {  	[smem:$0x3FB6] =	sst s10  }
0x38: {  	s10 =	sld [smem:$0x3FB7]  }
0x39: {  	_ = 	snop;
	(pc) =	sbr.ind lr, $3  }
0x3a: {  	_ = 	snop  }
0x3b: {  	_ = 	snop  }
0x3c: {  	p2 =	seq.s32 s10, $0x1;
	s10 =	sld [smem:$0x3FB6]  }
0x3d: {  	_ =	shalt  }
0x3e: {  	_ =	shalt  }
0x3f: {  	_ =	shalt  }
0x40: {  	_ =	shalt  }
0x41: {  	_ =	shalt  }
0x42: {  	_ =	shalt  }
0x43: {  	_ =	shalt  }
0x44: {  	_ =	shalt  }
0x45: {  	_ =	shalt  }
0x46: {  	_ =	shalt  }
0x47: {  	_ =	shalt  }
0x48: {  	_ =	shalt  }
0x49: {  	_ =	shalt  }
0x4a: {  	_ =	shalt  }
0x4b: {  	_ =	shalt  }
0x4c: {  	_ =	shalt  }
0x4d: {  	_ =	shalt  }
0x4e: {  	_ =	shalt  }
0x4f: {  	_ =	shalt  }
0x50: {  	_ =	shalt  }
0x51: {  	_ =	shalt  }
0x52: {  	_ =	shalt  }
0x53: {  	_ =	shalt  }
0x54: {  	_ =	shalt  }
0x55: {  	_ =	shalt  }
0x56: {  	_ =	shalt  }
0x57: {  	_ =	shalt  }
0x58: {  	_ =	shalt  }
0x59: {  	_ =	shalt  }
0x5a: {  	_ =	shalt  }
0x5b: {  	_ =	shalt  }
0x5c: {  	_ =	shalt  }
0x5d: {  	_ =	shalt  }
0x5e: {  	_ =	shalt  }
0x5f: {  	_ =	shalt  }
0x60: {  	_ =	shalt  }
0x61: {  	_ =	shalt  }
0x62: {  	_ =	shalt  }
0x63: {  	_ =	shalt  }
0x64: {  	_ =	shalt  }
0x65: {  	_ =	shalt  }
0x66: {  	_ =	shalt  }
0x67: {  	_ =	shalt  }
0x68: {  	_ =	shalt  }
0x69: {  	_ =	shalt  }
0x6a: {  	_ =	shalt  }
0x6b: {  	_ =	shalt  }
0x6c: {  	_ =	shalt  }
0x6d: {  	_ =	shalt  }
0x6e: {  	_ =	shalt  }
0x6f: {  	_ =	shalt  }
0x70: {  	_ =	shalt  }
0x71: {  	_ =	shalt  }
0x72: {  	_ =	shalt  }
0x73: {  	_ =	shalt  }
0x74: {  	_ =	shalt  }
0x75: {  	_ =	shalt  }
0x76: {  	_ =	shalt  }
0x77: {  	_ =	shalt  }
0x78: {  	_ =	shalt  }
0x79: {  	_ =	shalt  }
0x7a: {  	_ =	shalt  }
0x7b: {  	_ =	shalt  }
0x7c: {  	_ =	shalt  }
0x7d: {  	_ =	shalt  }
0x7e: {  	_ =	shalt  }
0x7f: {  	_ =	shalt  }
0x80: {  	_ =	shalt  }
0x81: {  	_ =	shalt  }
0x82: {  	_ =	shalt  }
0x83: {  	_ =	shalt  }
0x84: {  	_ =	shalt  }
0x85: {  	_ =	shalt  }
0x86: {  	_ =	shalt  }
0x87: {  	_ =	shalt  }
.Lfunc_end0:
.L_simem_size_0:
called_computation.1_lowered:
.L_overlay_start_0:
0x88: {  	s2 =	sld [smem:$0x3FD9]  }
0x89: {  	s3 =	sld [smem:$0x3FFE];
	_ =	sdelay $0x1  }
0x8a: {  	s1 =	srdreg.scid  }
0x8b: {  	s0 =	sand.u32 $0x1, s1  }
0x8c: {  	s17 =	sshll.u32 s0, $0xA;
	s2 =	sadd.s32 s3, s2  }
0x8d: {  	s2 =	sadd.s32 s2, s17  }
0x8e: {  	[smem:$0x3FC2] =	sst s2  }
0x8f: {  	_ = 	snop  }
0x90: {  	s2 =	sld [smem:$0x3FD0];
	(tm) =	ssettm $0x1  }
0x91: {  	s18 =	sld [smem:$0x3FFB];
	_ =	sdelay $0x3  }
0x92: {  	_ =	strace s18  }
0x93: {  	s3 =	sld [smem:$0x3FFC];
	_ =	sdelay $0x3  }
0x94: {  	_ =	strace s3  }
0x95: {  	s3 =	sld [smem:$0x3FFD];
	_ =	sdelay $0x3  }
0x96: {  	_ =	strace s3  }
0x97: {  	_ =	strace $0x8FFFFFFF  }
0x98: {  	s19 =	sld [smem:$0x3FDB];
	_ =	sdelay $0x1  }
0x99: {  	s4 =	simm.s32 $_scs_section_size  }
0x9a: {  	s5 =	simm.s32 $_size__tile_overlayer_lowered;
	s6 =	simm.s32 $_tile_overlayer_lowered  }
0x9b: {  	s22 =	simm.s32 $0x1BFF;
	s21 =	sshll.u32 s6, $0x1;
	s3 =	sadd.s32 s4, s19  }
0x9c: {  	s7 =	simm.s32 $0x0;
	s20 =	sshll.u32 s5, $0x1;
	s5 =	sadd.s32 s21, s3  }
0x9d: {  	[timem:s7], [sflag:s22] =	dma.local [hbm:s5], s20  }
0x9e: {  	_ =	swait.ge [sflag:s22], s20  }
0x9f: {  	s4 =	ssub.s32 $0x0, s20;
	[sflag:s22] =	ssyncset.done $0x0  }
0xa0: {  	[sflag:s22] =	ssyncadd.s32 s4;
	_ =	sdelay $0x1  }
0xa1: {  	s23 =	simm.s32 $0x1B8B  }
0xa2: {  	_ =	swait.ge [sflag:s23], $0x1  }
0xa3: {  	[sflag:s23] =	ssyncset.done $0x0  }
0xa4: {  	s25 =	simm.s32 $0x1B8E;
	s24 =	sld [smem:$0x3FFE];
	[sflag:s23] =	ssyncadd.s32 $0xFFFFFFFF  }
0xa5: {  	s26 =	simm.s32 $execute0_lowered;
	[smem:$0x3FD2] =	sst s25  }
0xa6: {  	s5 =	sshll.u32 s26, $0x1;
	_ =	strace $0x80000049;
	[dreg:$0x1] =	wrdreg $0xFFFFFFFF  }
0xa7: {  	s28 =	simm.s32 $_size_execute0_lowered;
	s3 =	sadd.s32 s3, s5;
	[dreg:$0x0] =	wrdreg $0x0  }
0xa8: {  	s5 =	sshll.u32 s28, $0x1;
	[dreg:$0x2] =	wrdreg s3  }
0xa9: {  	[dreg:$0x3] =	wrdreg s5  }
0xaa: {  	[dreg:$0x4] =	wrdreg $0xC0  }
0xab: {  	_ =	task [dreg:s7], $0x5FFFF  }
0xac: {  	[dreg:$0x1] =	wrdreg $0xFFFFFFFF  }
0xad: {  	[dreg:$0x0] =	wrdreg $0x60  }
0xae: {  	[dreg:$0x2] =	wrdreg s24  }
0xaf: {  	[dreg:$0x3] =	wrdreg s2  }
0xb0: {  	[dreg:$0x4] =	wrdreg $0x8F000  }
0xb1: {  	[dreg:$0x5] =	wrdreg $0x9  }
0xb2: {  	_ =	task.clear_ibuf [dreg:s7], $0x6FFFF;
	_ =	strace $0x90000049  }
0xb3: {  	s29 =	simm.s32 $0x9;
	_ =	strace $0x8000004B  }
0xb4: {  	_ =	swait.ge [sflag:s29], $0x1  }
0xb5: {  	[sflag:s29] =	ssyncadd.s32 $0xFFFFFFFF  }
0xb6: {  	_ =	strace $0x9000004B  }
0xb7: {  	_ =	sfence  }
0xb8: {  	s30 =	sld [smem:$0x0];
	_ =	sdelay $0x2  }
0xb9: {  	s31 =	sshll.u32 s1, $0xD;
	s1 =	sshrl.u32 s1, $0x2  }
0xba: {  	s3 =	sand.u32 $0x4000, s31;
	s1 =	sadd.s32 s1, s30  }
0xbb: {  	s0 =	sor.u32 s3, s0;
	s1 =	sshll.u32 s1, $0x11  }
0xbc: {  	s0 =	sor.u32 s1, s0  }
0xbd: {  	s0 =	sadd.s32 $0x8F2B, s0  }
0xbe: {  	[sflag:s0] =	ssyncadd.remote.s32 $0x1  }
0xbf: {  	_ =	sfence.sel $0xFFFF  }
0xc0: {  	[dreg:$0x0] =	wrdreg $0xFFFFFFFF;
	(pc) =	sbr.abs _section_cstart, $3  }
0xc1: {  	[dreg:$0x1] =	wrdreg $0xFFFFFFFF  }
0xc2: {  	_ =	task.clear_ibuf [dreg:s7], $0x2FFFF;
	_ =	strace $0x9FFFFFFF  }
0xc3: {  	(tm) =	ssettm $0x7FFFFFFF  }
tec
execute0_lowered:
.L_overlay_start_1:
0x0: {  	(tag) =	ssettag $0x1  }
0x1: {  	s6 =	rddreg [dreg:$0x0]  }
0x2: {  	s7 =	rddreg [dreg:$0x1];
	s2 =	srdreg.scid  }
0x3: {  	s1 =	rddreg [dreg:$0x2];
	s5 =	sand.u32 $0x1, s2  }
0x4: {  	s2 =	stileid.u32;
	s8 =	smul.u32 $0x140000, s5  }
0x5: {  	s0 =	rddreg [dreg:$0x3];
	s3 =	simm.s32 $0x0;
	s9 =	smul.u32 $0x14000, s2  }
0x6: {  	s13 =	simm.s32 $0x4F00;
	s14 =	simm.s32 $0x0;
	s10 =	smul.u32 $0x50000, s2  }
0x7: {  	[smem:$0x7FF] =	sst s3;
	s4 =	sadd.s32 $0x5FC00, s6;
	s28 =	smul.u32 $0x4F000, s5  }
0x8: {  	_ =	strace $0x8000004A;
	s11 =	ssub.s32 $0x2, s5;
	s12 =	smul.u32 $0x4F00, s2  }
0x9: {  	s5 =	sadd.s32 $0xD400, s6;
	s31 =	sshll.u32 s2, $0x6;
	s29 =	sshrl.u32 s11, $0x1  }
0xa: {  	s8 =	sadd.s32 s9, s8;
	s11 =	ssub.s32 s11, s29;
	s30 =	sshrl.u32 s10, $0x2  }
0xb: {  	s9 =	sadd.s32 s12, s28;
	s12 =	simm.s32 $0x80;
	s8 =	sshrl.u32 s8, $0x3  }
0xc: {  	s10 =	sadd.s32 s30, s1;
	s9 =	sshrl.u32 s9, $0x3;
	s8 =	sadd.s32 s8, s6  }
0xd: {  	s6 =	sor.u32 $0x1C01, s31;
	s7 =	sadd.s32 s7, s9;
	s9 =	smax.u32 s11, $0x1  }
0xe: {  	s10 =	sshrl.u32 s10, $0x3;
	s11 =	simm.s32 $0x1;
	s8 =	sadd.s32 $0x87C00, s8  }
.LBB2_1:
0xf: {  	[spmem:s10], [sflag:s6] =	dma.local [hbm:s5], $0x2800  }
0x10: {  	_ =	swait.ge [sflag:s11], $0x2800  }
0x11: {  	[sflag:s11] =	ssyncset.done $0x0  }
0x12: {  	[sflag:s11] =	ssyncadd.s32 $0xFFFFD800  }
0x13: {  	[bflag:$0x0] =	sbarrier.arrive $0xFFFF  }
0x14: {  	[tilespmem:s3], [sflag:$0x1] =	stream.linear.gather [hbm4b:s7+s3], $0x4F00, $0x38;
	[tilespmem:$0x1CF00] =	vst v63  }
0x15: {  	_ =	swait.ge [sflag:s11], $0x4F00  }
0x16: {  	[sflag:s11] =	ssyncset.done $0x0  }
0x17: {  	s15 =	simm.s32 $0x0;
	[sflag:s11] =	ssyncadd.s32 $0xFFFFB100  }
0x18: {  	[tilespmem:s13], [sflag:$0x1] =	stream.indirect.gather [hbm4b:s4+s12], $0x80, s15, s12, $0xb8;
	[tilespmem:$0x1CF00] =	vst v63  }
0x19: {  	_ =	swait.ge [sflag:s11], $0x4000  }
0x1a: {  	[sflag:s11] =	ssyncset.done $0x0  }
0x1b: {  	s31 =	simm.s32 $0x80;
	[sflag:s11] =	ssyncadd.s32 $0xFFFFC000  }
0x1c: {  	[spmem:s1] =	stream.indirect.scatter.add.f32 [tilespmem:s13], [sflag:$0x1], $0x80, s31, s12, $0xb8;
	[tilespmem:$0x1CF00] =	vst v63  }
0x1d: {  	_ =	swait.ge [sflag:s11], $0x4000  }
0x1e: {  	s16 =	simm.s32 $0x800;
	s15 =	simm.s32 $0x400;
	[sflag:s11] =	ssyncset.done $0x0  }
.LBB2_2:
0x1f: {  	s17 =	sshra.s32 s15, $0x2  }
0x20: {  	[sflag:s11] =	ssyncadd.s32 $0xFFFFC000;
	s15 =	smov.u32 s16;
	s18 =	sadd.s32 $0x400, s16  }
0x21: {  	[tilespmem:s13], [sflag:$0x1] =	stream.indirect.gather [hbm4b:s4+s12], $0x80, s17, s12, $0xb8;
	[tilespmem:$0x1CF00] =	vst v63  }
0x22: {  	p0 =	sne.s32 s16, $0x13800;
	_ =	swait.ge [sflag:s11], $0x4000  }
.Ltmp0:
0x23: {  	[sflag:s11] =	ssyncset.done $0x0;
	(pc) =	sbr.rel @p0 .LBB2_2-.Ltmp0, $4  }
0x24: {  	s16 =	sadd.s32 $0x80, s17;
	[sflag:s11] =	ssyncadd.s32 $0xFFFFC000  }
0x25: {  	[spmem:s1] =	stream.indirect.scatter.add.f32 [tilespmem:s13], [sflag:$0x1], $0x80, s16, s12, $0xb8;
	[tilespmem:$0x1CF00] =	vst v63  }
0x26: {  	_ =	swait.ge [sflag:s11], $0x4000  }
0x27: {  	s16 =	smov.u32 s18;
	[sflag:s11] =	ssyncset.done $0x0  }
0x28: {  	s15 =	sshra.s32 s15, $0x2;
	[sflag:s11] =	ssyncadd.s32 $0xFFFFC000  }
0x29: {  	[tilespmem:s13], [sflag:$0x1] =	stream.indirect.gather [hbm4b:s4+s12], $0x80, s15, s12, $0xb8;
	[tilespmem:$0x1CF00] =	vst v63  }
0x2a: {  	_ =	swait.ge [sflag:s11], $0x4000  }
0x2b: {  	[sflag:s11] =	ssyncset.done $0x0  }
0x2c: {  	s15 =	sadd.s32 $0x80, s15;
	[sflag:s11] =	ssyncadd.s32 $0xFFFFC000  }
0x2d: {  	[spmem:s1] =	stream.indirect.scatter.add.f32 [tilespmem:s13], [sflag:$0x1], $0x80, s15, s12, $0xb8;
	[tilespmem:$0x1CF00] =	vst v63  }
0x2e: {  	_ =	swait.ge [sflag:s11], $0x4000  }
0x2f: {  	s14 =	sadd.s32 $0x1, s14;
	[sflag:s11] =	ssyncset.done $0x0  }
0x30: {  	p0 =	sne.s32 s14, s9;
	[sflag:s11] =	ssyncadd.s32 $0xFFFFC000  }
.Ltmp1:
0x31: {  	[bflag:$0x0] =	sbarrier.arrive $0xFFFF;
	(pc) =	sbr.rel @p0 .LBB2_1-.Ltmp1, $4  }
0x32: {  	[hbm:s8], [sflag:s6] =	dma.local [spmem:s10], $0x2800  }
0x33: {  	_ =	swait.ge [sflag:s11], $0x2800  }
0x34: {  	[sflag:s11] =	ssyncset.done $0x0  }
0x35: {  	[sflag:s11] =	ssyncadd.s32 $0xFFFFD800  }
0x36: {  	_ =	sfence.sel $0x180000  }
0x37: {  	[bflag:$0x0] =	sbarrier.arrive $0xFFFF  }
0x38: {  	p0 =	sne.s32 s2, $0x0;
	_ =	strace $0x9000004A  }
0x39: {  	s0 =	sadd.s32 @!p0 $0x100000, s0;
	[bflag:$0x2] =	sbarrier.arrive $0xFFFF  }
0x3a: {  	[sflag:s0] =	ssyncadd.tile.s32 @!p0 $0x1;
	_ =	shalt  }
.Lfunc_end2:
_tile_overlayer_lowered:
.L_overlay_start_2:
0x3b: {  	(tag) =	ssettag $0x2  }
0x3c: {  	s0 =	rddreg [dreg:$0x0];
	s2 =	stileid.u32  }
0x3d: {  	s1 =	rddreg [dreg:$0x1];
	p0 =	sne.s32 s2, $0x0  }
0x3e: {  	s3 =	rddreg [dreg:$0x2];
	[bflag:$0x3] =	sbarrier.arrive $0xFFFF;
	s2 =	simm.s32 @!p0 $0x1C01  }
0x3f: {  	[timem:s3], [sflag:s2] =	dma.local @!p0 [hbm:s0], s1  }
0x40: {  	s0 =	simm.s32 @!p0 $0x1  }
0x41: {  	_ =	swait.ge @!p0 [sflag:s0], s1  }
0x42: {  	s1 =	ssub.s32 @!p0 $0x0, s1;
	[sflag:s0] =	ssyncset.done @!p0 $0x0  }
0x43: {  	[sflag:s0] =	ssyncadd.s32 @!p0 s1  }
0x44: {  	[bflag:$0x3] =	sbarrier.arrive $0xFFFF  }
0x45: {  	_ =	shalt  }

// kernel: kernel.14.cloned.1.call-start
scs
__scs_entry_jumppad:
0x0: {  	(pc) =	sbr.rel $0x88, $3  }
0x1: {  	(tag) =	ssettag $0x0;
	lr =	simm.s32 $0x1  }
0x2: {  	[smem:$0x3F9B] =	sst lr;
	_ =	strace $0xD0000000  }
0x3: {  	_ = 	snop  }
0x4: {  	_ = 	snop  }
0x5: {  	_ = 	snop  }
0x6: {  	_ = 	snop  }
0x7: {  	_ = 	snop  }
__scs_overlays_trampoline_lowered:
0x8: {  	[smem:$0x3FAA] =	sst s0  }
0x9: {  	[smem:$0x3FAB] =	sst s1  }
0xa: {  	[smem:$0x3FAC] =	sst s2  }
0xb: {  	[smem:$0x3FAD] =	sst s3  }
0xc: {  	[smem:$0x3FAE] =	sst s4  }
0xd: {  	[smem:$0x3FAF] =	sst s5  }
0xe: {  	[smem:$0x3FB0] =	sst s6  }
0xf: {  	[smem:$0x3FB1] =	sst s7  }
0x10: {  	[smem:$0x3FB2] =	sst s8  }
0x11: {  	[smem:$0x3FB3] =	sst s9;
	s0 =	simm.s32 @!p0 $0x0  }
0x12: {  	s1 =	sld [smem:$0x3F99];
	s0 =	simm.s32 @p0 $0x1  }
0x13: {  	[smem:$0x3FB4] =	sst s0;
	s0 =	simm.s32 @!p1 $0x0  }
0x14: {  	s2 =	sld [smem:$0x3F98];
	s0 =	simm.s32 @p1 $0x1  }
0x15: {  	[smem:$0x3FB5] =	sst s0;
	s0 =	simm.s32 @!p2 $0x0  }
0x16: {  	s3 =	sld [smem:$0x3FDB];
	s0 =	simm.s32 @p2 $0x1  }
0x17: {  	s4 =	simm.s32 $0x1BF5;
	[smem:$0x3FB7] =	sst s0  }
0x18: {  	s0 =	sld [smem:$0x3F9A];
	_ =	swait.ge [sflag:s4], $0x0  }
0x19: {  	s7 =	sld [smem:$0x3F9B]  }
0x1a: {  	s8 =	sadd.s32 $0xFFFFE003, lr  }
0x1b: {  	s9 =	sadd.s32 $0xFFFFFEF7, lr;
	s5 =	simm.s32 $0xFFFFFFFF;
	p2 =	slt.u32 s8, $0xFFFFF086  }
0x1c: {  	p1 =	slt.u32 s9, $0xF7A;
	s5 =	simm.s32 @!p2 $0x0  }
0x1d: {  	s5 =	simm.s32 @p1 $0x1;
	p0 =	seq.s32 s7, s2  }
0x1e: {  	s7 =	smul.u32 @!p0 $0xF7A, s2;
	p2 =	seq.s32 @!p0 s5, $0x0  }
0x1f: {  	s9 =	smul.u32 $0xF7A, s1;
	s8 =	simm.s32 @!p0 $0x1BF5;
	p2 =	por !p2, p0  }
0x20: {  	[sflag:s8] =	ssyncset.s32 @!p0 $0xFFFFF086;
	s6 =	sadd.s32 @!p0 s3, s7;
	s7 =	simm.s32 @!p0 $0x108  }
0x21: {  	s3 =	sadd.s32 s3, s9;
	s6 =	sadd.s32 @!p0 $0x88, s6;
	s7 =	simm.s32 @p2 $0x1082  }
0x22: {  	[simem:s7], [sflag:s8] =	dma.local @!p0 [hbm:s6], $0xF7A  }
0x23: {  	s9 =	sor.u32 $0xD0000000, s2;
	s6 =	simm.s32 $0x108;
	_ =	swait.ge @!p0 [sflag:s8], $0x0  }
0x24: {  	s3 =	sadd.s32 $0x88, s3;
	s6 =	simm.s32 @!p1 $0x1082;
	[sflag:s4] =	ssyncset.s32 $0xFFFFF086  }
0x25: {  	[simem:s6], [sflag:s4] =	dma.local [hbm:s3], $0xF7A  }
0x26: {  	[smem:$0x3F9B] =	sst s1;
	(tag) =	ssettag s2;
	_ =	strace s9  }
0x27: {  	s1 =	sld [smem:$0x3FAB]  }
0x28: {  	s2 =	sld [smem:$0x3FAC]  }
0x29: {  	s4 =	sld [smem:$0x3FAE]  }
0x2a: {  	p0 =	seq.s32 s5, $0x0;
	s5 =	sld [smem:$0x3FAF]  }
0x2b: {  	s6 =	sld [smem:$0x3FB0]  }
0x2c: {  	s7 =	sld [smem:$0x3FB1]  }
0x2d: {  	s3 =	simm.s32 $0x108;
	s8 =	sld [smem:$0x3FB2]  }
0x2e: {  	s3 =	simm.s32 @!p0 $0x1082;
	s9 =	sld [smem:$0x3FB3]  }
0x2f: {  	lr =	sadd.s32 s0, s3;
	s0 =	sld [smem:$0x3FAA]  }
0x30: {  	s3 =	sld [smem:$0x3FAD]  }
0x31: {  	[smem:$0x3FB6] =	sst s10  }
0x32: {  	s10 =	sld [smem:$0x3FB4];
	_ =	sdelay $0x3  }
0x33: {  	p0 =	seq.s32 s10, $0x1;
	s10 =	sld [smem:$0x3FB6];
	_ =	sdelay $0x3  }
0x34: {  	[smem:$0x3FB6] =	sst s10  }
0x35: {  	s10 =	sld [smem:$0x3FB5];
	_ =	sdelay $0x3  }
0x36: {  	p1 =	seq.s32 s10, $0x1;
	s10 =	sld [smem:$0x3FB6];
	_ =	sdelay $0x3  }
0x37: {  	[smem:$0x3FB6] =	sst s10  }
0x38: {  	s10 =	sld [smem:$0x3FB7]  }
0x39: {  	_ = 	snop;
	(pc) =	sbr.ind lr, $3  }
0x3a: {  	_ = 	snop  }
0x3b: {  	_ = 	snop  }
0x3c: {  	p2 =	seq.s32 s10, $0x1;
	s10 =	sld [smem:$0x3FB6]  }
0x3d: {  	_ =	shalt  }
0x3e: {  	_ =	shalt  }
0x3f: {  	_ =	shalt  }
0x40: {  	_ =	shalt  }
0x41: {  	_ =	shalt  }
0x42: {  	_ =	shalt  }
0x43: {  	_ =	shalt  }
0x44: {  	_ =	shalt  }
0x45: {  	_ =	shalt  }
0x46: {  	_ =	shalt  }
0x47: {  	_ =	shalt  }
0x48: {  	_ =	shalt  }
0x49: {  	_ =	shalt  }
0x4a: {  	_ =	shalt  }
0x4b: {  	_ =	shalt  }
0x4c: {  	_ =	shalt  }
0x4d: {  	_ =	shalt  }
0x4e: {  	_ =	shalt  }
0x4f: {  	_ =	shalt  }
0x50: {  	_ =	shalt  }
0x51: {  	_ =	shalt  }
0x52: {  	_ =	shalt  }
0x53: {  	_ =	shalt  }
0x54: {  	_ =	shalt  }
0x55: {  	_ =	shalt  }
0x56: {  	_ =	shalt  }
0x57: {  	_ =	shalt  }
0x58: {  	_ =	shalt  }
0x59: {  	_ =	shalt  }
0x5a: {  	_ =	shalt  }
0x5b: {  	_ =	shalt  }
0x5c: {  	_ =	shalt  }
0x5d: {  	_ =	shalt  }
0x5e: {  	_ =	shalt  }
0x5f: {  	_ =	shalt  }
0x60: {  	_ =	shalt  }
0x61: {  	_ =	shalt  }
0x62: {  	_ =	shalt  }
0x63: {  	_ =	shalt  }
0x64: {  	_ =	shalt  }
0x65: {  	_ =	shalt  }
0x66: {  	_ =	shalt  }
0x67: {  	_ =	shalt  }
0x68: {  	_ =	shalt  }
0x69: {  	_ =	shalt  }
0x6a: {  	_ =	shalt  }
0x6b: {  	_ =	shalt  }
0x6c: {  	_ =	shalt  }
0x6d: {  	_ =	shalt  }
0x6e: {  	_ =	shalt  }
0x6f: {  	_ =	shalt  }
0x70: {  	_ =	shalt  }
0x71: {  	_ =	shalt  }
0x72: {  	_ =	shalt  }
0x73: {  	_ =	shalt  }
0x74: {  	_ =	shalt  }
0x75: {  	_ =	shalt  }
0x76: {  	_ =	shalt  }
0x77: {  	_ =	shalt  }
0x78: {  	_ =	shalt  }
0x79: {  	_ =	shalt  }
0x7a: {  	_ =	shalt  }
0x7b: {  	_ =	shalt  }
0x7c: {  	_ =	shalt  }
0x7d: {  	_ =	shalt  }
0x7e: {  	_ =	shalt  }
0x7f: {  	_ =	shalt  }
0x80: {  	_ =	shalt  }
0x81: {  	_ =	shalt  }
0x82: {  	_ =	shalt  }
0x83: {  	_ =	shalt  }
0x84: {  	_ =	shalt  }
0x85: {  	_ =	shalt  }
0x86: {  	_ =	shalt  }
0x87: {  	_ =	shalt  }
.Lfunc_end0:
.L_simem_size_0:
called_computation.2_lowered:
.L_overlay_start_0:
0x88: {  	s2 =	sld [smem:$0x3FD9]  }
0x89: {  	s3 =	sld [smem:$0x3FFE];
	_ =	sdelay $0x1  }
0x8a: {  	s1 =	srdreg.scid  }
0x8b: {  	s0 =	sand.u32 $0x1, s1  }
0x8c: {  	s17 =	sshll.u32 s0, $0xA;
	s2 =	sadd.s32 s3, s2  }
0x8d: {  	s2 =	sadd.s32 s2, s17  }
0x8e: {  	[smem:$0x3FC2] =	sst s2  }
0x8f: {  	_ = 	snop  }
0x90: {  	s2 =	sld [smem:$0x3FD0];
	(tm) =	ssettm $0x1  }
0x91: {  	s18 =	sld [smem:$0x3FFB];
	_ =	sdelay $0x3  }
0x92: {  	_ =	strace s18  }
0x93: {  	s3 =	sld [smem:$0x3FFC];
	_ =	sdelay $0x3  }
0x94: {  	_ =	strace s3  }
0x95: {  	s3 =	sld [smem:$0x3FFD];
	_ =	sdelay $0x3  }
0x96: {  	_ =	strace s3  }
0x97: {  	_ =	strace $0x8FFFFFFF  }
0x98: {  	s19 =	sld [smem:$0x3FDB];
	_ =	sdelay $0x1  }
0x99: {  	s4 =	simm.s32 $_scs_section_size  }
0x9a: {  	s5 =	simm.s32 $_size__tile_overlayer_lowered;
	s6 =	simm.s32 $_tile_overlayer_lowered  }
0x9b: {  	s22 =	simm.s32 $0x1BFF;
	s21 =	sshll.u32 s6, $0x1;
	s3 =	sadd.s32 s4, s19  }
0x9c: {  	s7 =	simm.s32 $0x0;
	s20 =	sshll.u32 s5, $0x1;
	s5 =	sadd.s32 s21, s3  }
0x9d: {  	[timem:s7], [sflag:s22] =	dma.local [hbm:s5], s20  }
0x9e: {  	_ =	swait.ge [sflag:s22], s20  }
0x9f: {  	s4 =	ssub.s32 $0x0, s20;
	[sflag:s22] =	ssyncset.done $0x0  }
0xa0: {  	[sflag:s22] =	ssyncadd.s32 s4;
	_ =	sdelay $0x1  }
0xa1: {  	s23 =	simm.s32 $0x1B8B  }
0xa2: {  	_ =	swait.ge [sflag:s23], $0x1  }
0xa3: {  	[sflag:s23] =	ssyncset.done $0x0  }
0xa4: {  	s25 =	simm.s32 $0x1B8E;
	s24 =	sld [smem:$0x3FFE];
	[sflag:s23] =	ssyncadd.s32 $0xFFFFFFFF  }
0xa5: {  	s26 =	simm.s32 $execute0_lowered;
	[smem:$0x3FD2] =	sst s25  }
0xa6: {  	s5 =	sshll.u32 s26, $0x1;
	_ =	strace $0x8000004C;
	[dreg:$0x1] =	wrdreg $0xFFFFFFFF  }
0xa7: {  	s28 =	simm.s32 $_size_execute0_lowered;
	s3 =	sadd.s32 s3, s5;
	[dreg:$0x0] =	wrdreg $0x0  }
0xa8: {  	s5 =	sshll.u32 s28, $0x1;
	[dreg:$0x2] =	wrdreg s3  }
0xa9: {  	[dreg:$0x3] =	wrdreg s5  }
0xaa: {  	[dreg:$0x4] =	wrdreg $0xC0  }
0xab: {  	_ =	task [dreg:s7], $0x5FFFF  }
0xac: {  	[dreg:$0x1] =	wrdreg $0xFFFFFFFF  }
0xad: {  	[dreg:$0x0] =	wrdreg $0x60  }
0xae: {  	[dreg:$0x2] =	wrdreg s24  }
0xaf: {  	[dreg:$0x3] =	wrdreg s2  }
0xb0: {  	[dreg:$0x4] =	wrdreg $0x8F000  }
0xb1: {  	[dreg:$0x5] =	wrdreg $0x9  }
0xb2: {  	_ =	task.clear_ibuf [dreg:s7], $0x6FFFF;
	_ =	strace $0x9000004C  }
0xb3: {  	s29 =	simm.s32 $0x9;
	_ =	strace $0x8000004E  }
0xb4: {  	_ =	swait.ge [sflag:s29], $0x1  }
0xb5: {  	[sflag:s29] =	ssyncadd.s32 $0xFFFFFFFF  }
0xb6: {  	_ =	strace $0x9000004E  }
0xb7: {  	_ =	sfence  }
0xb8: {  	s30 =	sld [smem:$0x0];
	_ =	sdelay $0x2  }
0xb9: {  	s31 =	sshll.u32 s1, $0xD;
	s1 =	sshrl.u32 s1, $0x2  }
0xba: {  	s3 =	sand.u32 $0x4000, s31;
	s1 =	sadd.s32 s1, s30  }
0xbb: {  	s0 =	sor.u32 s3, s0;
	s1 =	sshll.u32 s1, $0x11  }
0xbc: {  	s0 =	sor.u32 s1, s0  }
0xbd: {  	s0 =	sadd.s32 $0x8F2B, s0  }
0xbe: {  	[sflag:s0] =	ssyncadd.remote.s32 $0x1  }
0xbf: {  	_ =	sfence.sel $0xFFFF  }
0xc0: {  	[dreg:$0x0] =	wrdreg $0xFFFFFFFF;
	(pc) =	sbr.abs _section_cstart, $3  }
0xc1: {  	[dreg:$0x1] =	wrdreg $0xFFFFFFFF  }
0xc2: {  	_ =	task.clear_ibuf [dreg:s7], $0x2FFFF;
	_ =	strace $0x9FFFFFFF  }
0xc3: {  	(tm) =	ssettm $0x7FFFFFFF  }
tec
execute0_lowered:
.L_overlay_start_1:
0x0: {  	(tag) =	ssettag $0x1  }
0x1: {  	s6 =	rddreg [dreg:$0x0]  }
0x2: {  	s7 =	rddreg [dreg:$0x1];
	s2 =	srdreg.scid  }
0x3: {  	s1 =	rddreg [dreg:$0x2];
	s5 =	sand.u32 $0x1, s2  }
0x4: {  	s2 =	stileid.u32;
	s8 =	smul.u32 $0x140000, s5  }
0x5: {  	s0 =	rddreg [dreg:$0x3];
	s3 =	simm.s32 $0x0;
	s9 =	smul.u32 $0x14000, s2  }
0x6: {  	s13 =	simm.s32 $0x4F00;
	s14 =	simm.s32 $0x0;
	s10 =	smul.u32 $0x50000, s2  }
0x7: {  	[smem:$0x7FF] =	sst s3;
	s4 =	sadd.s32 $0x5FC00, s6;
	s28 =	smul.u32 $0x4F000, s5  }
0x8: {  	_ =	strace $0x8000004D;
	s11 =	ssub.s32 $0x2, s5;
	s12 =	smul.u32 $0x4F00, s2  }
0x9: {  	s5 =	sadd.s32 $0xD400, s6;
	s31 =	sshll.u32 s2, $0x6;
	s29 =	sshrl.u32 s11, $0x1  }
0xa: {  	s8 =	sadd.s32 s9, s8;
	s11 =	ssub.s32 s11, s29;
	s30 =	sshrl.u32 s10, $0x2  }
0xb: {  	s9 =	sadd.s32 s12, s28;
	s12 =	simm.s32 $0x80;
	s8 =	sshrl.u32 s8, $0x3  }
0xc: {  	s10 =	sadd.s32 s30, s1;
	s9 =	sshrl.u32 s9, $0x3;
	s8 =	sadd.s32 s8, s6  }
0xd: {  	s6 =	sor.u32 $0x1C01, s31;
	s7 =	sadd.s32 s7, s9;
	s9 =	smax.u32 s11, $0x1  }
0xe: {  	s10 =	sshrl.u32 s10, $0x3;
	s11 =	simm.s32 $0x1;
	s8 =	sadd.s32 $0x87C00, s8  }
.LBB2_1:
0xf: {  	[spmem:s10], [sflag:s6] =	dma.local [hbm:s5], $0x2800  }
0x10: {  	_ =	swait.ge [sflag:s11], $0x2800  }
0x11: {  	[sflag:s11] =	ssyncset.done $0x0  }
0x12: {  	[sflag:s11] =	ssyncadd.s32 $0xFFFFD800  }
0x13: {  	[bflag:$0x0] =	sbarrier.arrive $0xFFFF  }
0x14: {  	[tilespmem:s3], [sflag:$0x1] =	stream.linear.gather [hbm4b:s7+s3], $0x4F00, $0x38;
	[tilespmem:$0x1CF00] =	vst v63  }
0x15: {  	_ =	swait.ge [sflag:s11], $0x4F00  }
0x16: {  	[sflag:s11] =	ssyncset.done $0x0  }
0x17: {  	s15 =	simm.s32 $0x0;
	[sflag:s11] =	ssyncadd.s32 $0xFFFFB100  }
0x18: {  	[tilespmem:s13], [sflag:$0x1] =	stream.indirect.gather [hbm4b:s4+s12], $0x80, s15, s12, $0xb8;
	[tilespmem:$0x1CF00] =	vst v63  }
0x19: {  	_ =	swait.ge [sflag:s11], $0x4000  }
0x1a: {  	[sflag:s11] =	ssyncset.done $0x0  }
0x1b: {  	s31 =	simm.s32 $0x80;
	[sflag:s11] =	ssyncadd.s32 $0xFFFFC000  }
0x1c: {  	[spmem:s1] =	stream.indirect.scatter.add.f32 [tilespmem:s13], [sflag:$0x1], $0x80, s31, s12, $0xb8;
	[tilespmem:$0x1CF00] =	vst v63  }
0x1d: {  	_ =	swait.ge [sflag:s11], $0x4000  }
0x1e: {  	s16 =	simm.s32 $0x800;
	s15 =	simm.s32 $0x400;
	[sflag:s11] =	ssyncset.done $0x0  }
.LBB2_2:
0x1f: {  	s17 =	sshra.s32 s15, $0x2  }
0x20: {  	[sflag:s11] =	ssyncadd.s32 $0xFFFFC000;
	s15 =	smov.u32 s16;
	s18 =	sadd.s32 $0x400, s16  }
0x21: {  	[tilespmem:s13], [sflag:$0x1] =	stream.indirect.gather [hbm4b:s4+s12], $0x80, s17, s12, $0xb8;
	[tilespmem:$0x1CF00] =	vst v63  }
0x22: {  	p0 =	sne.s32 s16, $0x13800;
	_ =	swait.ge [sflag:s11], $0x4000  }
.Ltmp0:
0x23: {  	[sflag:s11] =	ssyncset.done $0x0;
	(pc) =	sbr.rel @p0 .LBB2_2-.Ltmp0, $4  }
0x24: {  	s16 =	sadd.s32 $0x80, s17;
	[sflag:s11] =	ssyncadd.s32 $0xFFFFC000  }
0x25: {  	[spmem:s1] =	stream.indirect.scatter.add.f32 [tilespmem:s13], [sflag:$0x1], $0x80, s16, s12, $0xb8;
	[tilespmem:$0x1CF00] =	vst v63  }
0x26: {  	_ =	swait.ge [sflag:s11], $0x4000  }
0x27: {  	s16 =	smov.u32 s18;
	[sflag:s11] =	ssyncset.done $0x0  }
0x28: {  	s15 =	sshra.s32 s15, $0x2;
	[sflag:s11] =	ssyncadd.s32 $0xFFFFC000  }
0x29: {  	[tilespmem:s13], [sflag:$0x1] =	stream.indirect.gather [hbm4b:s4+s12], $0x80, s15, s12, $0xb8;
	[tilespmem:$0x1CF00] =	vst v63  }
0x2a: {  	_ =	swait.ge [sflag:s11], $0x4000  }
0x2b: {  	[sflag:s11] =	ssyncset.done $0x0  }
0x2c: {  	s15 =	sadd.s32 $0x80, s15;
	[sflag:s11] =	ssyncadd.s32 $0xFFFFC000  }
0x2d: {  	[spmem:s1] =	stream.indirect.scatter.add.f32 [tilespmem:s13], [sflag:$0x1], $0x80, s15, s12, $0xb8;
	[tilespmem:$0x1CF00] =	vst v63  }
0x2e: {  	_ =	swait.ge [sflag:s11], $0x4000  }
0x2f: {  	s14 =	sadd.s32 $0x1, s14;
	[sflag:s11] =	ssyncset.done $0x0  }
0x30: {  	p0 =	sne.s32 s14, s9;
	[sflag:s11] =	ssyncadd.s32 $0xFFFFC000  }
.Ltmp1:
0x31: {  	[bflag:$0x0] =	sbarrier.arrive $0xFFFF;
	(pc) =	sbr.rel @p0 .LBB2_1-.Ltmp1, $4  }
0x32: {  	[hbm:s8], [sflag:s6] =	dma.local [spmem:s10], $0x2800  }
0x33: {  	_ =	swait.ge [sflag:s11], $0x2800  }
0x34: {  	[sflag:s11] =	ssyncset.done $0x0  }
0x35: {  	[sflag:s11] =	ssyncadd.s32 $0xFFFFD800  }
0x36: {  	_ =	sfence.sel $0x180000  }
0x37: {  	[bflag:$0x0] =	sbarrier.arrive $0xFFFF  }
0x38: {  	p0 =	sne.s32 s2, $0x0;
	_ =	strace $0x9000004D  }
0x39: {  	s0 =	sadd.s32 @!p0 $0x100000, s0;
	[bflag:$0x2] =	sbarrier.arrive $0xFFFF  }
0x3a: {  	[sflag:s0] =	ssyncadd.tile.s32 @!p0 $0x1;
	_ =	shalt  }
.Lfunc_end2:
_tile_overlayer_lowered:
.L_overlay_start_2:
0x3b: {  	(tag) =	ssettag $0x2  }
0x3c: {  	s0 =	rddreg [dreg:$0x0];
	s2 =	stileid.u32  }
0x3d: {  	s1 =	rddreg [dreg:$0x1];
	p0 =	sne.s32 s2, $0x0  }
0x3e: {  	s3 =	rddreg [dreg:$0x2];
	[bflag:$0x3] =	sbarrier.arrive $0xFFFF;
	s2 =	simm.s32 @!p0 $0x1C01  }
0x3f: {  	[timem:s3], [sflag:s2] =	dma.local @!p0 [hbm:s0], s1  }
0x40: {  	s0 =	simm.s32 @!p0 $0x1  }
0x41: {  	_ =	swait.ge @!p0 [sflag:s0], s1  }
0x42: {  	s1 =	ssub.s32 @!p0 $0x0, s1;
	[sflag:s0] =	ssyncset.done @!p0 $0x0  }
0x43: {  	[sflag:s0] =	ssyncadd.s32 @!p0 s1  }
0x44: {  	[bflag:$0x3] =	sbarrier.arrive $0xFFFF  }
0x45: {  	_ =	shalt  }

// kernel: kernel.8.cloned.1.call-start
scs
__scs_entry_jumppad:
0x0: {  	(pc) =	sbr.rel $0x88, $3  }
0x1: {  	(tag) =	ssettag $0x0;
	lr =	simm.s32 $0x1  }
0x2: {  	[smem:$0x3F9B] =	sst lr;
	_ =	strace $0xD0000000  }
0x3: {  	_ = 	snop  }
0x4: {  	_ = 	snop  }
0x5: {  	_ = 	snop  }
0x6: {  	_ = 	snop  }
0x7: {  	_ = 	snop  }
__scs_overlays_trampoline_lowered:
0x8: {  	[smem:$0x3FAA] =	sst s0  }
0x9: {  	[smem:$0x3FAB] =	sst s1  }
0xa: {  	[smem:$0x3FAC] =	sst s2  }
0xb: {  	[smem:$0x3FAD] =	sst s3  }
0xc: {  	[smem:$0x3FAE] =	sst s4  }
0xd: {  	[smem:$0x3FAF] =	sst s5  }
0xe: {  	[smem:$0x3FB0] =	sst s6  }
0xf: {  	[smem:$0x3FB1] =	sst s7  }
0x10: {  	[smem:$0x3FB2] =	sst s8  }
0x11: {  	[smem:$0x3FB3] =	sst s9;
	s0 =	simm.s32 @!p0 $0x0  }
0x12: {  	s1 =	sld [smem:$0x3F99];
	s0 =	simm.s32 @p0 $0x1  }
0x13: {  	[smem:$0x3FB4] =	sst s0;
	s0 =	simm.s32 @!p1 $0x0  }
0x14: {  	s2 =	sld [smem:$0x3F98];
	s0 =	simm.s32 @p1 $0x1  }
0x15: {  	[smem:$0x3FB5] =	sst s0;
	s0 =	simm.s32 @!p2 $0x0  }
0x16: {  	s3 =	sld [smem:$0x3FDB];
	s0 =	simm.s32 @p2 $0x1  }
0x17: {  	s4 =	simm.s32 $0x1BF5;
	[smem:$0x3FB7] =	sst s0  }
0x18: {  	s0 =	sld [smem:$0x3F9A];
	_ =	swait.ge [sflag:s4], $0x0  }
0x19: {  	s7 =	sld [smem:$0x3F9B]  }
0x1a: {  	s8 =	sadd.s32 $0xFFFFE003, lr  }
0x1b: {  	s9 =	sadd.s32 $0xFFFFFEF7, lr;
	s5 =	simm.s32 $0xFFFFFFFF;
	p2 =	slt.u32 s8, $0xFFFFF086  }
0x1c: {  	p1 =	slt.u32 s9, $0xF7A;
	s5 =	simm.s32 @!p2 $0x0  }
0x1d: {  	s5 =	simm.s32 @p1 $0x1;
	p0 =	seq.s32 s7, s2  }
0x1e: {  	s7 =	smul.u32 @!p0 $0xF7A, s2;
	p2 =	seq.s32 @!p0 s5, $0x0  }
0x1f: {  	s9 =	smul.u32 $0xF7A, s1;
	s8 =	simm.s32 @!p0 $0x1BF5;
	p2 =	por !p2, p0  }
0x20: {  	[sflag:s8] =	ssyncset.s32 @!p0 $0xFFFFF086;
	s6 =	sadd.s32 @!p0 s3, s7;
	s7 =	simm.s32 @!p0 $0x108  }
0x21: {  	s3 =	sadd.s32 s3, s9;
	s6 =	sadd.s32 @!p0 $0x88, s6;
	s7 =	simm.s32 @p2 $0x1082  }
0x22: {  	[simem:s7], [sflag:s8] =	dma.local @!p0 [hbm:s6], $0xF7A  }
0x23: {  	s9 =	sor.u32 $0xD0000000, s2;
	s6 =	simm.s32 $0x108;
	_ =	swait.ge @!p0 [sflag:s8], $0x0  }
0x24: {  	s3 =	sadd.s32 $0x88, s3;
	s6 =	simm.s32 @!p1 $0x1082;
	[sflag:s4] =	ssyncset.s32 $0xFFFFF086  }
0x25: {  	[simem:s6], [sflag:s4] =	dma.local [hbm:s3], $0xF7A  }
0x26: {  	[smem:$0x3F9B] =	sst s1;
	(tag) =	ssettag s2;
	_ =	strace s9  }
0x27: {  	s1 =	sld [smem:$0x3FAB]  }
0x28: {  	s2 =	sld [smem:$0x3FAC]  }
0x29: {  	s4 =	sld [smem:$0x3FAE]  }
0x2a: {  	p0 =	seq.s32 s5, $0x0;
	s5 =	sld [smem:$0x3FAF]  }
0x2b: {  	s6 =	sld [smem:$0x3FB0]  }
0x2c: {  	s7 =	sld [smem:$0x3FB1]  }
0x2d: {  	s3 =	simm.s32 $0x108;
	s8 =	sld [smem:$0x3FB2]  }
0x2e: {  	s3 =	simm.s32 @!p0 $0x1082;
	s9 =	sld [smem:$0x3FB3]  }
0x2f: {  	lr =	sadd.s32 s0, s3;
	s0 =	sld [smem:$0x3FAA]  }
0x30: {  	s3 =	sld [smem:$0x3FAD]  }
0x31: {  	[smem:$0x3FB6] =	sst s10  }
0x32: {  	s10 =	sld [smem:$0x3FB4];
	_ =	sdelay $0x3  }
0x33: {  	p0 =	seq.s32 s10, $0x1;
	s10 =	sld [smem:$0x3FB6];
	_ =	sdelay $0x3  }
0x34: {  	[smem:$0x3FB6] =	sst s10  }
0x35: {  	s10 =	sld [smem:$0x3FB5];
	_ =	sdelay $0x3  }
0x36: {  	p1 =	seq.s32 s10, $0x1;
	s10 =	sld [smem:$0x3FB6];
	_ =	sdelay $0x3  }
0x37: {  	[smem:$0x3FB6] =	sst s10  }
0x38: {  	s10 =	sld [smem:$0x3FB7]  }
0x39: {  	_ = 	snop;
	(pc) =	sbr.ind lr, $3  }
0x3a: {  	_ = 	snop  }
0x3b: {  	_ = 	snop  }
0x3c: {  	p2 =	seq.s32 s10, $0x1;
	s10 =	sld [smem:$0x3FB6]  }
0x3d: {  	_ =	shalt  }
0x3e: {  	_ =	shalt  }
0x3f: {  	_ =	shalt  }
0x40: {  	_ =	shalt  }
0x41: {  	_ =	shalt  }
0x42: {  	_ =	shalt  }
0x43: {  	_ =	shalt  }
0x44: {  	_ =	shalt  }
0x45: {  	_ =	shalt  }
0x46: {  	_ =	shalt  }
0x47: {  	_ =	shalt  }
0x48: {  	_ =	shalt  }
0x49: {  	_ =	shalt  }
0x4a: {  	_ =	shalt  }
0x4b: {  	_ =	shalt  }
0x4c: {  	_ =	shalt  }
0x4d: {  	_ =	shalt  }
0x4e: {  	_ =	shalt  }
0x4f: {  	_ =	shalt  }
0x50: {  	_ =	shalt  }
0x51: {  	_ =	shalt  }
0x52: {  	_ =	shalt  }
0x53: {  	_ =	shalt  }
0x54: {  	_ =	shalt  }
0x55: {  	_ =	shalt  }
0x56: {  	_ =	shalt  }
0x57: {  	_ =	shalt  }
0x58: {  	_ =	shalt  }
0x59: {  	_ =	shalt  }
0x5a: {  	_ =	shalt  }
0x5b: {  	_ =	shalt  }
0x5c: {  	_ =	shalt  }
0x5d: {  	_ =	shalt  }
0x5e: {  	_ =	shalt  }
0x5f: {  	_ =	shalt  }
0x60: {  	_ =	shalt  }
0x61: {  	_ =	shalt  }
0x62: {  	_ =	shalt  }
0x63: {  	_ =	shalt  }
0x64: {  	_ =	shalt  }
0x65: {  	_ =	shalt  }
0x66: {  	_ =	shalt  }
0x67: {  	_ =	shalt  }
0x68: {  	_ =	shalt  }
0x69: {  	_ =	shalt  }
0x6a: {  	_ =	shalt  }
0x6b: {  	_ =	shalt  }
0x6c: {  	_ =	shalt  }
0x6d: {  	_ =	shalt  }
0x6e: {  	_ =	shalt  }
0x6f: {  	_ =	shalt  }
0x70: {  	_ =	shalt  }
0x71: {  	_ =	shalt  }
0x72: {  	_ =	shalt  }
0x73: {  	_ =	shalt  }
0x74: {  	_ =	shalt  }
0x75: {  	_ =	shalt  }
0x76: {  	_ =	shalt  }
0x77: {  	_ =	shalt  }
0x78: {  	_ =	shalt  }
0x79: {  	_ =	shalt  }
0x7a: {  	_ =	shalt  }
0x7b: {  	_ =	shalt  }
0x7c: {  	_ =	shalt  }
0x7d: {  	_ =	shalt  }
0x7e: {  	_ =	shalt  }
0x7f: {  	_ =	shalt  }
0x80: {  	_ =	shalt  }
0x81: {  	_ =	shalt  }
0x82: {  	_ =	shalt  }
0x83: {  	_ =	shalt  }
0x84: {  	_ =	shalt  }
0x85: {  	_ =	shalt  }
0x86: {  	_ =	shalt  }
0x87: {  	_ =	shalt  }
.Lfunc_end0:
.L_simem_size_0:
called_computation_lowered:
.L_overlay_start_0:
0x88: {  	s2 =	sld [smem:$0x3FD9]  }
0x89: {  	s3 =	sld [smem:$0x3FFE];
	_ =	sdelay $0x1  }
0x8a: {  	s1 =	srdreg.scid  }
0x8b: {  	s0 =	sand.u32 $0x1, s1  }
0x8c: {  	s16 =	sshll.u32 s0, $0xA;
	s2 =	sadd.s32 s3, s2  }
0x8d: {  	s2 =	sadd.s32 s2, s16  }
0x8e: {  	[smem:$0x3FC2] =	sst s2  }
0x8f: {  	_ = 	snop  }
0x90: {  	(tm) =	ssettm $0x1  }
0x91: {  	s17 =	sld [smem:$0x3FFB];
	_ =	sdelay $0x3  }
0x92: {  	_ =	strace s17  }
0x93: {  	s2 =	sld [smem:$0x3FFC];
	_ =	sdelay $0x3  }
0x94: {  	_ =	strace s2  }
0x95: {  	s2 =	sld [smem:$0x3FFD];
	_ =	sdelay $0x3  }
0x96: {  	_ =	strace s2  }
0x97: {  	_ =	strace $0x8FFFFFFF  }
0x98: {  	s18 =	sld [smem:$0x3FDB];
	_ =	sdelay $0x1  }
0x99: {  	s19 =	simm.s32 $_scs_section_size  }
0x9a: {  	s4 =	simm.s32 $_size__tile_overlayer_lowered;
	s5 =	simm.s32 $_tile_overlayer_lowered  }
0x9b: {  	s22 =	simm.s32 $0x1BFF;
	s21 =	sshll.u32 s5, $0x1;
	s2 =	sadd.s32 s19, s18  }
0x9c: {  	s6 =	simm.s32 $0x0;
	s20 =	sshll.u32 s4, $0x1;
	s4 =	sadd.s32 s21, s2  }
0x9d: {  	[timem:s6], [sflag:s22] =	dma.local [hbm:s4], s20  }
0x9e: {  	_ =	swait.ge [sflag:s22], s20  }
0x9f: {  	s3 =	ssub.s32 $0x0, s20;
	[sflag:s22] =	ssyncset.done $0x0  }
0xa0: {  	[sflag:s22] =	ssyncadd.s32 s3;
	_ =	sdelay $0x1  }
0xa1: {  	s23 =	simm.s32 $0x1B8B  }
0xa2: {  	_ =	swait.ge [sflag:s23], $0x1  }
0xa3: {  	[sflag:s23] =	ssyncset.done $0x0  }
0xa4: {  	s25 =	simm.s32 $0x1B8E;
	s24 =	sld [smem:$0x3FFE];
	[sflag:s23] =	ssyncadd.s32 $0xFFFFFFFF  }
0xa5: {  	s26 =	simm.s32 $execute0_lowered;
	[smem:$0x3FD2] =	sst s25  }
0xa6: {  	s4 =	sshll.u32 s26, $0x1;
	_ =	strace $0x80000046;
	[dreg:$0x1] =	wrdreg $0xFFFFFFFF  }
0xa7: {  	s28 =	simm.s32 $_size_execute0_lowered;
	s2 =	sadd.s32 s2, s4;
	[dreg:$0x0] =	wrdreg $0x0  }
0xa8: {  	s4 =	sshll.u32 s28, $0x1;
	[dreg:$0x2] =	wrdreg s2  }
0xa9: {  	[dreg:$0x3] =	wrdreg s4  }
0xaa: {  	[dreg:$0x4] =	wrdreg $0xC0  }
0xab: {  	_ =	task [dreg:s6], $0x5FFFF  }
0xac: {  	[dreg:$0x1] =	wrdreg $0xFFFFFFFF  }
0xad: {  	[dreg:$0x0] =	wrdreg $0x60  }
0xae: {  	[dreg:$0x2] =	wrdreg s24  }
0xaf: {  	[dreg:$0x3] =	wrdreg $0x68000  }
0xb0: {  	[dreg:$0x4] =	wrdreg $0x9  }
0xb1: {  	_ =	task.clear_ibuf [dreg:s6], $0x5FFFF;
	_ =	strace $0x90000046  }
0xb2: {  	s29 =	simm.s32 $0x9;
	_ =	strace $0x80000048  }
0xb3: {  	_ =	swait.ge [sflag:s29], $0x1  }
0xb4: {  	[sflag:s29] =	ssyncadd.s32 $0xFFFFFFFF  }
0xb5: {  	_ =	strace $0x90000048  }
0xb6: {  	_ =	sfence  }
0xb7: {  	s30 =	sld [smem:$0x0];
	_ =	sdelay $0x2  }
0xb8: {  	s31 =	sshll.u32 s1, $0xD;
	s1 =	sshrl.u32 s1, $0x2  }
0xb9: {  	s3 =	sand.u32 $0x4000, s31;
	s1 =	sadd.s32 s1, s30  }
0xba: {  	s0 =	sor.u32 s3, s0;
	s1 =	sshll.u32 s1, $0x11  }
0xbb: {  	s0 =	sor.u32 s1, s0  }
0xbc: {  	s0 =	sadd.s32 $0x8F2B, s0  }
0xbd: {  	[sflag:s0] =	ssyncadd.remote.s32 $0x1  }
0xbe: {  	_ =	sfence.sel $0xFFFF  }
0xbf: {  	[dreg:$0x0] =	wrdreg $0xFFFFFFFF;
	(pc) =	sbr.abs _section_cstart, $3  }
0xc0: {  	[dreg:$0x1] =	wrdreg $0xFFFFFFFF  }
0xc1: {  	_ =	task.clear_ibuf [dreg:s6], $0x2FFFF;
	_ =	strace $0x9FFFFFFF  }
0xc2: {  	(tm) =	ssettm $0x7FFFFFFF  }
0xc3: {  	_ =	shalt  }
tec
execute0_lowered:
.L_overlay_start_1:
0x0: {  	(tag) =	ssettag $0x1  }
0x1: {  	s6 =	rddreg [dreg:$0x0]  }
0x2: {  	s0 =	srdreg.scid;
	s2 =	rddreg [dreg:$0x1]  }
0x3: {  	s1 =	rddreg [dreg:$0x2];
	s3 =	simm.s32 $0x0;
	s13 =	simm.s32 $0x80  }
0x4: {  	s14 =	simm.s32 $0x8;
	s15 =	simm.s32 $0x1;
	s16 =	simm.s32 $0x2  }
0x5: {  	s17 =	simm.s32 $0x3;
	s18 =	simm.s32 $0x4;
	s7 =	sand.u32 $0x1, s0  }
0x6: {  	s19 =	simm.s32 $0x5;
	s0 =	stileid.u32;
	s4 =	smul.u32 $0x28000, s7  }
0x7: {  	s20 =	simm.s32 $0x6;
	s21 =	simm.s32 $0x7;
	s5 =	smul.u32 $0x2800, s0  }
0x8: {  	s22 =	simm.s32 $0x0;
	[smem:$0x7FF] =	sst s3;
	s8 =	smul.u32 $0x140000, s7  }
0x9: {  	_ =	strace $0x80000047;
	s9 =	smul.u32 $0x14000, s0;
	s7 =	ssub.s32 $0x2, s7  }
0xa: {  	s11 =	smul.u32 $0x50000, s0;
	s31 =	sshll.u32 s0, $0x6;
	s30 =	sshrl.u32 s7, $0x1  }
0xb: {  	s4 =	sadd.s32 s5, s4;
	s5 =	sadd.s32 $0xD400, s6;
	s8 =	sadd.s32 s9, s8  }
0xc: {  	s11 =	sshrl.u32 s11, $0x2;
	s9 =	ssub.s32 s7, s30;
	s4 =	sshrl.u32 s4, $0x3  }
0xd: {  	s8 =	sshrl.u32 s8, $0x3;
	s12 =	sadd.s32 s11, s2;
	s11 =	sor.u32 $0x1C09, s31  }
0xe: {  	s10 =	sadd.s32 s4, s6;
	s4 =	sadd.s32 $0xCC00, s6;
	s8 =	sadd.s32 s8, s6  }
0xf: {  	s12 =	sshrl.u32 s12, $0x3;
	s6 =	sadd.s32 $0x2C00, s10;
	s7 =	sadd.s32 $0xFC00, s8  }
0x10: {  	s8 =	smax.u32 s9, $0x1;
	s9 =	simm.s32 $0x2800;
	s10 =	simm.s32 $0x9  }
.LBB2_1:
0x11: {  	[tilespmem:s9], [sflag:$0x9] =	stream.linear.gather [hbm4b:s4+s3], $0x4000, $0x38;
	[tilespmem:$0x1A800] =	vst v63  }
0x12: {  	_ =	swait.ge [sflag:s10], $0x4000  }
0x13: {  	[sflag:s10] =	ssyncset.done $0x0  }
0x14: {  	[sflag:s10] =	ssyncadd.s32 $0xFFFFC000  }
0x15: {  	[spmem:s12], [sflag:s11] =	dma.local [hbm:s5], $0x2800  }
0x16: {  	_ =	swait.ge [sflag:s10], $0x2800  }
0x17: {  	[sflag:s10] =	ssyncset.done $0x0  }
0x18: {  	[sflag:s10] =	ssyncadd.s32 $0xFFFFD800  }
0x19: {  	[bflag:$0x0] =	sbarrier.arrive $0xFFFF  }
0x1a: {  	[tilespmem:s3], [sflag:$0x9] =	stream.linear.gather [hbm4b:s6+s3], $0x2780, $0x38;
	[tilespmem:$0x1A800] =	vst v63  }
0x1b: {  	_ =	swait.ge [sflag:s10], $0x2780  }
0x1c: {  	s24 =	sand.u32 $0x7, s3;
	p0 =	por $0x1, $0x1;
	[sflag:s10] =	ssyncset.done $0x0  }
0x1d: {  	s25 =	sadd.s32 @!p0 $0x1, s24;
	[sflag:s10] =	ssyncadd.s32 $0xFFFFD880  }
0x1e: {  	_ =	swait.ge @!p0 [sflag:s25], $0x4000  }
0x1f: {  	s23 =	simm.s32 $0x1;
	s26 =	sadd.s32 $0x1, s24;
	[sflag:s25] =	ssyncset.done @!p0 $0x0  }
0x20: {  	s24 =	simm.s32 $0x80;
	[sflag:s25] =	ssyncadd.s32 @!p0 $0xFFFFC000;
	s25 =	simm.s32 $0x0  }
.LBB2_2:
0x21: {  	[spmem:s2] =	stream.indirect.scatter.add.f32 [tilespmem:s9], [sflag:s26], $0x80, s25, s13, $0xb8;
	[tilespmem:$0x1A800] =	vst v63  }
0x22: {  	s26 =	sand.u32 $0x7, s23;
	p0 =	slt.u32 s23, $0x8;
	s23 =	sadd.s32 $0x1, s23  }
0x23: {  	p1 =	sne.s32 s23, $0x4F  }
.Ltmp0:
0x24: {  	(pc) =	sbr.rel @p1 .LBB2_2-.Ltmp0, $4  }
0x25: {  	s25 =	smov.u32 s24;
	s28 =	sadd.s32 @!p0 $0x1, s26  }
0x26: {  	_ =	swait.ge @!p0 [sflag:s28], $0x4000  }
0x27: {  	[sflag:s28] =	ssyncset.done @!p0 $0x0  }
0x28: {  	s24 =	sadd.s32 $0x80, s24;
	s26 =	sadd.s32 $0x1, s26;
	[sflag:s28] =	ssyncadd.s32 @!p0 $0xFFFFC000  }
0x29: {  	[spmem:s2] =	stream.indirect.scatter.add.f32 [tilespmem:s9], [sflag:s26], $0x80, s25, s13, $0xb8;
	[tilespmem:$0x1A800] =	vst v63  }
0x2a: {  	_ =	swait.ge [sflag:s14], $0x4000  }
0x2b: {  	[sflag:s14] =	ssyncset.done $0x0  }
0x2c: {  	[sflag:s14] =	ssyncadd.s32 $0xFFFFC000  }
0x2d: {  	_ =	swait.ge [sflag:s15], $0x4000  }
0x2e: {  	[sflag:s15] =	ssyncset.done $0x0  }
0x2f: {  	[sflag:s15] =	ssyncadd.s32 $0xFFFFC000  }
0x30: {  	_ =	swait.ge [sflag:s16], $0x4000  }
0x31: {  	[sflag:s16] =	ssyncset.done $0x0  }
0x32: {  	[sflag:s16] =	ssyncadd.s32 $0xFFFFC000  }
0x33: {  	_ =	swait.ge [sflag:s17], $0x4000  }
0x34: {  	[sflag:s17] =	ssyncset.done $0x0  }
0x35: {  	[sflag:s17] =	ssyncadd.s32 $0xFFFFC000  }
0x36: {  	_ =	swait.ge [sflag:s18], $0x4000  }
0x37: {  	[sflag:s18] =	ssyncset.done $0x0  }
0x38: {  	[sflag:s18] =	ssyncadd.s32 $0xFFFFC000  }
0x39: {  	_ =	swait.ge [sflag:s19], $0x4000  }
0x3a: {  	[sflag:s19] =	ssyncset.done $0x0  }
0x3b: {  	[sflag:s19] =	ssyncadd.s32 $0xFFFFC000  }
0x3c: {  	_ =	swait.ge [sflag:s20], $0x4000  }
0x3d: {  	[sflag:s20] =	ssyncset.done $0x0  }
0x3e: {  	[sflag:s20] =	ssyncadd.s32 $0xFFFFC000  }
0x3f: {  	_ =	swait.ge [sflag:s21], $0x4000  }
0x40: {  	s22 =	sadd.s32 $0x1, s22;
	[sflag:s21] =	ssyncset.done $0x0  }
0x41: {  	p0 =	sne.s32 s22, s8;
	[sflag:s21] =	ssyncadd.s32 $0xFFFFC000  }
.Ltmp1:
0x42: {  	[bflag:$0x0] =	sbarrier.arrive $0xFFFF;
	(pc) =	sbr.rel @p0 .LBB2_1-.Ltmp1, $4  }
0x43: {  	[hbm:s7], [sflag:s11] =	dma.local [spmem:s12], $0x2800  }
0x44: {  	_ =	swait.ge [sflag:s10], $0x2800  }
0x45: {  	[sflag:s10] =	ssyncset.done $0x0  }
0x46: {  	[sflag:s10] =	ssyncadd.s32 $0xFFFFD800  }
0x47: {  	_ =	sfence.sel $0x180000  }
0x48: {  	[bflag:$0x0] =	sbarrier.arrive $0xFFFF  }
0x49: {  	p0 =	sne.s32 s0, $0x0;
	_ =	strace $0x90000047  }
0x4a: {  	s0 =	sadd.s32 @!p0 $0x100000, s1;
	[bflag:$0x2] =	sbarrier.arrive $0xFFFF  }
0x4b: {  	[sflag:s0] =	ssyncadd.tile.s32 @!p0 $0x1;
	_ =	shalt  }
.Lfunc_end2:
_tile_overlayer_lowered:
.L_overlay_start_2:
0x4c: {  	(tag) =	ssettag $0x2  }
0x4d: {  	s0 =	rddreg [dreg:$0x0];
	s2 =	stileid.u32  }
0x4e: {  	s1 =	rddreg [dreg:$0x1];
	p0 =	sne.s32 s2, $0x0  }
0x4f: {  	s3 =	rddreg [dreg:$0x2];
	[bflag:$0x3] =	sbarrier.arrive $0xFFFF;
	s2 =	simm.s32 @!p0 $0x1C09  }
0x50: {  	[timem:s3], [sflag:s2] =	dma.local @!p0 [hbm:s0], s1  }
0x51: {  	s0 =	simm.s32 @!p0 $0x9  }
0x52: {  	_ =	swait.ge @!p0 [sflag:s0], s1  }
0x53: {  	s1 =	ssub.s32 @!p0 $0x0, s1;
	[sflag:s0] =	ssyncset.done @!p0 $0x0  }
0x54: {  	[sflag:s0] =	ssyncadd.s32 @!p0 s1  }
0x55: {  	[bflag:$0x3] =	sbarrier.arrive $0xFFFF  }
0x56: {  	_ =	shalt  }

</sc_bundles>
